<compile_context>
chip_gen: v7x
topology: tpu7x:2x2x1
jax: 0.10.2.dev20260603
libtpu: 0.0.44.dev20260713+nightly
codegen_flags: <defaults>
</compile_context>

<pallas_src>
import functools

import jax
import jax.numpy as jnp
from jax import lax
from jax.experimental import pallas as pl
from jax.experimental.pallas import tpu as pltpu
from jax.experimental.pallas import tpu_sc as plsc

_NUM_CORES = 2
_NUM_SUBCORES = 16
_NUM_WORKERS = _NUM_CORES * _NUM_SUBCORES
_CB = 16


def kernel(data, indices):
    batch, hist = indices.shape
    vocab, dim = data.shape
    assert batch % _NUM_WORKERS == 0
    b_per_w = batch // _NUM_WORKERS
    assert b_per_w % (2 * _CB) == 0
    n_chunks = b_per_w // _CB
    hist_pad = 64
    per_w = b_per_w * hist_pad

    flat_idx = jnp.pad(indices, ((0, 0), (0, hist_pad - hist))).reshape(
        batch * hist_pad)

    mesh = plsc.VectorSubcoreMesh(core_axis_name="c", subcore_axis_name="s")

    @functools.partial(
        pl.kernel,
        out_type=jax.ShapeDtypeStruct((batch, hist, dim), jnp.float32),
        mesh=mesh,
        scratch_types=[
            pltpu.VMEM((per_w,), jnp.int32),
            pltpu.VMEM((_CB, hist, dim), jnp.float32),
            pltpu.VMEM((_CB, hist, dim), jnp.float32),
            pltpu.SemaphoreType.DMA,
            pltpu.SemaphoreType.DMA,
            pltpu.SemaphoreType.DMA,
            pltpu.SemaphoreType.DMA,
        ],
        compiler_params=pltpu.CompilerParams(use_tc_tiling_on_sc=False),
    )
    def gather_kernel(table_hbm, idx_hbm, out_hbm, idx_all, rows0, rows1,
                      gsem0, gsem1, wsem0, wsem1):
        rows = (rows0, rows1)
        gsems = (gsem0, gsem1)
        wsems = (wsem0, wsem1)
        wid = lax.axis_index("s") * _NUM_CORES + lax.axis_index("c")
        base = wid * per_w
        bbase = wid * b_per_w

        pltpu.sync_copy(idx_hbm.at[pl.ds(pl.multiple_of(base, per_w), per_w)],
                        idx_all)

        def gather_chunk(g, b):
            gds = []
            for i in range(_CB):
                gds.append(pltpu.async_copy(
                    table_hbm.at[idx_all.at[pl.ds(
                        g * (_CB * hist_pad) + i * hist_pad, hist)]],
                    rows[b].at[i], gsems[b]))
            return gds

        def write_chunk(g, b):
            return pltpu.async_copy(
                rows[b], out_hbm.at[pl.ds(bbase + g * _CB, _CB)], wsems[b])

        def body(h, carry):
            g0 = h * 2
            gds0 = gather_chunk(g0, 0)
            for gd in gds0:
                gd.wait()
            wd0 = write_chunk(g0, 0)
            gds1 = gather_chunk(g0 + 1, 1)
            for gd in gds1:
                gd.wait()
            wd0.wait()
            wd1 = write_chunk(g0 + 1, 1)
            wd1.wait()
            return carry

        lax.fori_loop(0, n_chunks // 2, body, 0)

    return gather_kernel(data, flat_idx)

# --- scband reference (transcript-rebuilt; emitter-appended) ---
"""Pipeline reference for scband-indice-layer-88691074662689 (READ-ONLY COPY).

The authoritative reference and input builder live on the scoring server;
editing this copy changes nothing except your own understanding.
"""

import jax, jax.numpy as jnp
import numpy as np

VOCAB = 1000000
EMBED_DIM = 32
BATCH = 16384
HIST_LEN = 50


def setup_inputs(seed: int = 0) -> dict:
    key = jax.random.key(seed)
    k1, k2 = jax.random.split(key)
    # 'data' is the constructor-time tensor held by IndiceLayer (the lookup table).
    data = jax.random.normal(k1, (VOCAB, EMBED_DIM), dtype=jnp.float32)
    indices = jax.random.randint(k2, (BATCH, HIST_LEN), 0, VOCAB, dtype=jnp.int32)
    return {"data": data, "indices": indices}


def reference(data, indices):
    # tf.vectorized_map(lambda indice: tf.gather(self.data, indice), indices)
    # vectorizing a row-gather over the batch dimension is exactly data[indices]:
    # output shape [BATCH, HIST_LEN, EMBED_DIM]
    return jnp.take(data, indices, axis=0)

if __name__ == "__main__":
    import jax
    _d = setup_inputs()
    print(jax.jit(kernel)(*tuple(_d.values())))

</pallas_src>

<mosaic_0001>
#map = affine_map<(d0, d1) -> (0, 0)>
#map1 = affine_map<(d0, d1) -> (0)>
#map2 = affine_map<(d0, d1) -> (0, 0, 0)>
module attributes {stable_mosaic.version = 14 : i64} {
  func.func @gather_kernel(%arg0: i32, %arg1: i32, %arg2: memref<1000000x32xf32, #tpu.memory_space<hbm>>, %arg3: memref<1048576xi32, #tpu.memory_space<hbm>>, %arg4: memref<16384x50x32xf32, #tpu.memory_space<hbm>>, %arg5: memref<32768xi32, #tpu.memory_space<vmem>>, %arg6: memref<16x50x32xf32, #tpu.memory_space<vmem>>, %arg7: memref<16x50x32xf32, #tpu.memory_space<vmem>>, %arg8: memref<!tpu.dma_semaphore, #tpu.memory_space<semaphore_mem>>, %arg9: memref<!tpu.dma_semaphore, #tpu.memory_space<semaphore_mem>>, %arg10: memref<!tpu.dma_semaphore, #tpu.memory_space<semaphore_mem>>, %arg11: memref<!tpu.dma_semaphore, #tpu.memory_space<semaphore_mem>>) attributes {dimension_semantics = [#tpu.dimension_semantics<core_parallel>, #tpu.dimension_semantics<subcore_parallel>], iteration_bounds = array<i64: 2, 16>, scalar_prefetch = 0 : i64, scratch_operands = 7 : i64, tpu.core_type = #tpu.core_type<sc_vector_subcore>, window_params = [{transform_indices = #map}, {transform_indices = #map1}, {transform_indices = #map2}]} {
    %mul3A = arith.constant 2 : i32
    %mul3A_0 = arith.muli %arg1, %mul3A : i32
    %add3A = arith.addi %mul3A_0, %arg0 : i32
    %mul3A_1 = arith.constant 32768 : i32
    %mul3A_2 = arith.muli %add3A, %mul3A_1 : i32
    %mul3A_3 = arith.constant 512 : i32
    %mul3A_4 = arith.muli %add3A, %mul3A_3 : i32
    %multiple_of3A = tpu.assume_multiple %mul3A_2, 32768 : i32
    "tpu.region"() ({
      %run_scoped3A = tpu.sem_alloc : memref<!tpu.dma_semaphore, #tpu.memory_space<semaphore_mem>>
      %dma_start3A = tpu.memref_slice %arg3[%multiple_of3A] : memref<1048576xi32, #tpu.memory_space<hbm>> -> memref<32768xi32, #tpu.memory_space<hbm>>
      %dma_start3A_10 = tpu.memref_slice %arg3[%multiple_of3A] : memref<1048576xi32, #tpu.memory_space<hbm>> -> memref<32768xi32, #tpu.memory_space<hbm>>
      tpu.enqueue_dma source(%dma_start3A_10 : memref<32768xi32, #tpu.memory_space<hbm>>) target(%arg5 : memref<32768xi32, #tpu.memory_space<vmem>>) target_semaphore(%run_scoped3A : memref<!tpu.dma_semaphore, #tpu.memory_space<semaphore_mem>>)
      %dma_wait3A = tpu.memref_slice %arg3[%multiple_of3A] : memref<1048576xi32, #tpu.memory_space<hbm>> -> memref<32768xi32, #tpu.memory_space<hbm>>
      %dma_wait3A_11 = tpu.memref_slice %arg3[%multiple_of3A] : memref<1048576xi32, #tpu.memory_space<hbm>> -> memref<32768xi32, #tpu.memory_space<hbm>>
      tpu.wait_dma2 semaphore(%run_scoped3A : memref<!tpu.dma_semaphore, #tpu.memory_space<semaphore_mem>>) src(%dma_wait3A_11 : memref<32768xi32, #tpu.memory_space<hbm>>) dst(%arg5 : memref<32768xi32, #tpu.memory_space<vmem>>)
      tpu.yield
    }) : () -> ()
    %scan3A = arith.constant 0 : i32
    %scan3A_5 = arith.constant 0 : i32
    %scan3A_6 = arith.constant 16 : i32
    %scan3A_7 = arith.addi %scan3A_5, %scan3A_6 : i32
    %scan3A_8 = arith.constant 1 : i32
    scf.for %scan3A_10 = %scan3A_5 to %scan3A_7 step %scan3A_8  : i32 {
      %mul3A_11 = arith.constant 2 : i32
      %mul3A_12 = arith.muli %scan3A_10, %mul3A_11 : i32
      %mul3A_13 = arith.constant 1024 : i32
      %mul3A_14 = arith.muli %mul3A_12, %mul3A_13 : i32
      %add3A_15 = arith.constant 0 : i32
      %add3A_16 = arith.addi %mul3A_14, %add3A_15 : i32
      %dma_start3A = arith.constant 0 : i32
      %dma_start3A_17 = arith.constant 0 : i32
      %dma_start3A_18 = arith.constant 0 : i32
      %dma_start3A_19 = tpu.memref_slice %arg6[%dma_start3A, %dma_start3A_17, %dma_start3A_18] : memref<16x50x32xf32, #tpu.memory_space<vmem>> -> memref<1x50x32xf32, #tpu.memory_space<vmem>>
      %dma_start3A_20 = tpu.memref_squeeze %dma_start3A_19 : memref<1x50x32xf32, #tpu.memory_space<vmem>> -> memref<50x32xf32, #tpu.memory_space<vmem>>
      %dma_start3A_21 = tpu.memref_slice %arg5[%add3A_16] : memref<32768xi32, #tpu.memory_space<vmem>> -> memref<50xi32, #tpu.memory_space<vmem>>
      %dma_start3A_22 = arith.constant 0 : i32
      %dma_start3A_23 = arith.constant 0 : i32
      %dma_start3A_24 = tpu.memref_slice %arg2[%dma_start3A_22, %dma_start3A_23] : memref<1000000x32xf32, #tpu.memory_space<hbm>> -> memref<1000000x32xf32, #tpu.memory_space<hbm>>
      tpu.enqueue_indirect_dma source(%dma_start3A_24 : memref<1000000x32xf32, #tpu.memory_space<hbm>>) target(%dma_start3A_20 : memref<50x32xf32, #tpu.memory_space<vmem>>) offsets(%dma_start3A_21 : memref<50xi32, #tpu.memory_space<vmem>>) semaphore(%arg8 : memref<!tpu.dma_semaphore, #tpu.memory_space<semaphore_mem>>)
      %mul3A_25 = arith.constant 1024 : i32
      %mul3A_26 = arith.muli %mul3A_12, %mul3A_25 : i32
      %add3A_27 = arith.constant 64 : i32
      %add3A_28 = arith.addi %mul3A_26, %add3A_27 : i32
      %dma_start3A_29 = arith.constant 1 : i32
      %dma_start3A_30 = arith.constant 0 : i32
      %dma_start3A_31 = arith.constant 0 : i32
      %dma_start3A_32 = tpu.memref_slice %arg6[%dma_start3A_29, %dma_start3A_30, %dma_start3A_31] : memref<16x50x32xf32, #tpu.memory_space<vmem>> -> memref<1x50x32xf32, #tpu.memory_space<vmem>>
      %dma_start3A_33 = tpu.memref_squeeze %dma_start3A_32 : memref<1x50x32xf32, #tpu.memory_space<vmem>> -> memref<50x32xf32, #tpu.memory_space<vmem>>
      %dma_start3A_34 = tpu.memref_slice %arg5[%add3A_28] : memref<32768xi32, #tpu.memory_space<vmem>> -> memref<50xi32, #tpu.memory_space<vmem>>
      %dma_start3A_35 = arith.constant 0 : i32
      %dma_start3A_36 = arith.constant 0 : i32
      %dma_start3A_37 = tpu.memref_slice %arg2[%dma_start3A_35, %dma_start3A_36] : memref<1000000x32xf32, #tpu.memory_space<hbm>> -> memref<1000000x32xf32, #tpu.memory_space<hbm>>
      tpu.enqueue_indirect_dma source(%dma_start3A_37 : memref<1000000x32xf32, #tpu.memory_space<hbm>>) target(%dma_start3A_33 : memref<50x32xf32, #tpu.memory_space<vmem>>) offsets(%dma_start3A_34 : memref<50xi32, #tpu.memory_space<vmem>>) semaphore(%arg8 : memref<!tpu.dma_semaphore, #tpu.memory_space<semaphore_mem>>)
      %mul3A_38 = arith.constant 1024 : i32
      %mul3A_39 = arith.muli %mul3A_12, %mul3A_38 : i32
      %add3A_40 = arith.constant 128 : i32
      %add3A_41 = arith.addi %mul3A_39, %add3A_40 : i32
      %dma_start3A_42 = arith.constant 2 : i32
      %dma_start3A_43 = arith.constant 0 : i32
      %dma_start3A_44 = arith.constant 0 : i32
      %dma_start3A_45 = tpu.memref_slice %arg6[%dma_start3A_42, %dma_start3A_43, %dma_start3A_44] : memref<16x50x32xf32, #tpu.memory_space<vmem>> -> memref<1x50x32xf32, #tpu.memory_space<vmem>>
      %dma_start3A_46 = tpu.memref_squeeze %dma_start3A_45 : memref<1x50x32xf32, #tpu.memory_space<vmem>> -> memref<50x32xf32, #tpu.memory_space<vmem>>
      %dma_start3A_47 = tpu.memref_slice %arg5[%add3A_41] : memref<32768xi32, #tpu.memory_space<vmem>> -> memref<50xi32, #tpu.memory_space<vmem>>
      %dma_start3A_48 = arith.constant 0 : i32
      %dma_start3A_49 = arith.constant 0 : i32
      %dma_start3A_50 = tpu.memref_slice %arg2[%dma_start3A_48, %dma_start3A_49] : memref<1000000x32xf32, #tpu.memory_space<hbm>> -> memref<1000000x32xf32, #tpu.memory_space<hbm>>
      tpu.enqueue_indirect_dma source(%dma_start3A_50 : memref<1000000x32xf32, #tpu.memory_space<hbm>>) target(%dma_start3A_46 : memref<50x32xf32, #tpu.memory_space<vmem>>) offsets(%dma_start3A_47 : memref<50xi32, #tpu.memory_space<vmem>>) semaphore(%arg8 : memref<!tpu.dma_semaphore, #tpu.memory_space<semaphore_mem>>)
      %mul3A_51 = arith.constant 1024 : i32
      %mul3A_52 = arith.muli %mul3A_12, %mul3A_51 : i32
      %add3A_53 = arith.constant 192 : i32
      %add3A_54 = arith.addi %mul3A_52, %add3A_53 : i32
      %dma_start3A_55 = arith.constant 3 : i32
      %dma_start3A_56 = arith.constant 0 : i32
      %dma_start3A_57 = arith.constant 0 : i32
      %dma_start3A_58 = tpu.memref_slice %arg6[%dma_start3A_55, %dma_start3A_56, %dma_start3A_57] : memref<16x50x32xf32, #tpu.memory_space<vmem>> -> memref<1x50x32xf32, #tpu.memory_space<vmem>>
      %dma_start3A_59 = tpu.memref_squeeze %dma_start3A_58 : memref<1x50x32xf32, #tpu.memory_space<vmem>> -> memref<50x32xf32, #tpu.memory_space<vmem>>
      %dma_start3A_60 = tpu.memref_slice %arg5[%add3A_54] : memref<32768xi32, #tpu.memory_space<vmem>> -> memref<50xi32, #tpu.memory_space<vmem>>
      %dma_start3A_61 = arith.constant 0 : i32
      %dma_start3A_62 = arith.constant 0 : i32
      %dma_start3A_63 = tpu.memref_slice %arg2[%dma_start3A_61, %dma_start3A_62] : memref<1000000x32xf32, #tpu.memory_space<hbm>> -> memref<1000000x32xf32, #tpu.memory_space<hbm>>
      tpu.enqueue_indirect_dma source(%dma_start3A_63 : memref<1000000x32xf32, #tpu.memory_space<hbm>>) target(%dma_start3A_59 : memref<50x32xf32, #tpu.memory_space<vmem>>) offsets(%dma_start3A_60 : memref<50xi32, #tpu.memory_space<vmem>>) semaphore(%arg8 : memref<!tpu.dma_semaphore, #tpu.memory_space<semaphore_mem>>)
      %mul3A_64 = arith.constant 1024 : i32
      %mul3A_65 = arith.muli %mul3A_12, %mul3A_64 : i32
      %add3A_66 = arith.constant 256 : i32
      %add3A_67 = arith.addi %mul3A_65, %add3A_66 : i32
      %dma_start3A_68 = arith.constant 4 : i32
      %dma_start3A_69 = arith.constant 0 : i32
      %dma_start3A_70 = arith.constant 0 : i32
      %dma_start3A_71 = tpu.memref_slice %arg6[%dma_start3A_68, %dma_start3A_69, %dma_start3A_70] : memref<16x50x32xf32, #tpu.memory_space<vmem>> -> memref<1x50x32xf32, #tpu.memory_space<vmem>>
      %dma_start3A_72 = tpu.memref_squeeze %dma_start3A_71 : memref<1x50x32xf32, #tpu.memory_space<vmem>> -> memref<50x32xf32, #tpu.memory_space<vmem>>
      %dma_start3A_73 = tpu.memref_slice %arg5[%add3A_67] : memref<32768xi32, #tpu.memory_space<vmem>> -> memref<50xi32, #tpu.memory_space<vmem>>
      %dma_start3A_74 = arith.constant 0 : i32
      %dma_start3A_75 = arith.constant 0 : i32
      %dma_start3A_76 = tpu.memref_slice %arg2[%dma_start3A_74, %dma_start3A_75] : memref<1000000x32xf32, #tpu.memory_space<hbm>> -> memref<1000000x32xf32, #tpu.memory_space<hbm>>
      tpu.enqueue_indirect_dma source(%dma_start3A_76 : memref<1000000x32xf32, #tpu.memory_space<hbm>>) target(%dma_start3A_72 : memref<50x32xf32, #tpu.memory_space<vmem>>) offsets(%dma_start3A_73 : memref<50xi32, #tpu.memory_space<vmem>>) semaphore(%arg8 : memref<!tpu.dma_semaphore, #tpu.memory_space<semaphore_mem>>)
      %mul3A_77 = arith.constant 1024 : i32
      %mul3A_78 = arith.muli %mul3A_12, %mul3A_77 : i32
      %add3A_79 = arith.constant 320 : i32
      %add3A_80 = arith.addi %mul3A_78, %add3A_79 : i32
      %dma_start3A_81 = arith.constant 5 : i32
      %dma_start3A_82 = arith.constant 0 : i32
      %dma_start3A_83 = arith.constant 0 : i32
      %dma_start3A_84 = tpu.memref_slice %arg6[%dma_start3A_81, %dma_start3A_82, %dma_start3A_83] : memref<16x50x32xf32, #tpu.memory_space<vmem>> -> memref<1x50x32xf32, #tpu.memory_space<vmem>>
      %dma_start3A_85 = tpu.memref_squeeze %dma_start3A_84 : memref<1x50x32xf32, #tpu.memory_space<vmem>> -> memref<50x32xf32, #tpu.memory_space<vmem>>
      %dma_start3A_86 = tpu.memref_slice %arg5[%add3A_80] : memref<32768xi32, #tpu.memory_space<vmem>> -> memref<50xi32, #tpu.memory_space<vmem>>
      %dma_start3A_87 = arith.constant 0 : i32
      %dma_start3A_88 = arith.constant 0 : i32
      %dma_start3A_89 = tpu.memref_slice %arg2[%dma_start3A_87, %dma_start3A_88] : memref<1000000x32xf32, #tpu.memory_space<hbm>> -> memref<1000000x32xf32, #tpu.memory_space<hbm>>
      tpu.enqueue_indirect_dma source(%dma_start3A_89 : memref<1000000x32xf32, #tpu.memory_space<hbm>>) target(%dma_start3A_85 : memref<50x32xf32, #tpu.memory_space<vmem>>) offsets(%dma_start3A_86 : memref<50xi32, #tpu.memory_space<vmem>>) semaphore(%arg8 : memref<!tpu.dma_semaphore, #tpu.memory_space<semaphore_mem>>)
      %mul3A_90 = arith.constant 1024 : i32
      %mul3A_91 = arith.muli %mul3A_12, %mul3A_90 : i32
      %add3A_92 = arith.constant 384 : i32
      %add3A_93 = arith.addi %mul3A_91, %add3A_92 : i32
      %dma_start3A_94 = arith.constant 6 : i32
      %dma_start3A_95 = arith.constant 0 : i32
      %dma_start3A_96 = arith.constant 0 : i32
      %dma_start3A_97 = tpu.memref_slice %arg6[%dma_start3A_94, %dma_start3A_95, %dma_start3A_96] : memref<16x50x32xf32, #tpu.memory_space<vmem>> -> memref<1x50x32xf32, #tpu.memory_space<vmem>>
      %dma_start3A_98 = tpu.memref_squeeze %dma_start3A_97 : memref<1x50x32xf32, #tpu.memory_space<vmem>> -> memref<50x32xf32, #tpu.memory_space<vmem>>
      %dma_start3A_99 = tpu.memref_slice %arg5[%add3A_93] : memref<32768xi32, #tpu.memory_space<vmem>> -> memref<50xi32, #tpu.memory_space<vmem>>
      %dma_start3A_100 = arith.constant 0 : i32
      %dma_start3A_101 = arith.constant 0 : i32
      %dma_start3A_102 = tpu.memref_slice %arg2[%dma_start3A_100, %dma_start3A_101] : memref<1000000x32xf32, #tpu.memory_space<hbm>> -> memref<1000000x32xf32, #tpu.memory_space<hbm>>
      tpu.enqueue_indirect_dma source(%dma_start3A_102 : memref<1000000x32xf32, #tpu.memory_space<hbm>>) target(%dma_start3A_98 : memref<50x32xf32, #tpu.memory_space<vmem>>) offsets(%dma_start3A_99 : memref<50xi32, #tpu.memory_space<vmem>>) semaphore(%arg8 : memref<!tpu.dma_semaphore, #tpu.memory_space<semaphore_mem>>)
      %mul3A_103 = arith.constant 1024 : i32
      %mul3A_104 = arith.muli %mul3A_12, %mul3A_103 : i32
      %add3A_105 = arith.constant 448 : i32
      %add3A_106 = arith.addi %mul3A_104, %add3A_105 : i32
      %dma_start3A_107 = arith.constant 7 : i32
      %dma_start3A_108 = arith.constant 0 : i32
      %dma_start3A_109 = arith.constant 0 : i32
      %dma_start3A_110 = tpu.memref_slice %arg6[%dma_start3A_107, %dma_start3A_108, %dma_start3A_109] : memref<16x50x32xf32, #tpu.memory_space<vmem>> -> memref<1x50x32xf32, #tpu.memory_space<vmem>>
      %dma_start3A_111 = tpu.memref_squeeze %dma_start3A_110 : memref<1x50x32xf32, #tpu.memory_space<vmem>> -> memref<50x32xf32, #tpu.memory_space<vmem>>
      %dma_start3A_112 = tpu.memref_slice %arg5[%add3A_106] : memref<32768xi32, #tpu.memory_space<vmem>> -> memref<50xi32, #tpu.memory_space<vmem>>
      %dma_start3A_113 = arith.constant 0 : i32
      %dma_start3A_114 = arith.constant 0 : i32
      %dma_start3A_115 = tpu.memref_slice %arg2[%dma_start3A_113, %dma_start3A_114] : memref<1000000x32xf32, #tpu.memory_space<hbm>> -> memref<1000000x32xf32, #tpu.memory_space<hbm>>
      tpu.enqueue_indirect_dma source(%dma_start3A_115 : memref<1000000x32xf32, #tpu.memory_space<hbm>>) target(%dma_start3A_111 : memref<50x32xf32, #tpu.memory_space<vmem>>) offsets(%dma_start3A_112 : memref<50xi32, #tpu.memory_space<vmem>>) semaphore(%arg8 : memref<!tpu.dma_semaphore, #tpu.memory_space<semaphore_mem>>)
      %mul3A_116 = arith.constant 1024 : i32
      %mul3A_117 = arith.muli %mul3A_12, %mul3A_116 : i32
      %add3A_118 = arith.constant 512 : i32
      %add3A_119 = arith.addi %mul3A_117, %add3A_118 : i32
      %dma_start3A_120 = arith.constant 8 : i32
      %dma_start3A_121 = arith.constant 0 : i32
      %dma_start3A_122 = arith.constant 0 : i32
      %dma_start3A_123 = tpu.memref_slice %arg6[%dma_start3A_120, %dma_start3A_121, %dma_start3A_122] : memref<16x50x32xf32, #tpu.memory_space<vmem>> -> memref<1x50x32xf32, #tpu.memory_space<vmem>>
      %dma_start3A_124 = tpu.memref_squeeze %dma_start3A_123 : memref<1x50x32xf32, #tpu.memory_space<vmem>> -> memref<50x32xf32, #tpu.memory_space<vmem>>
      %dma_start3A_125 = tpu.memref_slice %arg5[%add3A_119] : memref<32768xi32, #tpu.memory_space<vmem>> -> memref<50xi32, #tpu.memory_space<vmem>>
      %dma_start3A_126 = arith.constant 0 : i32
      %dma_start3A_127 = arith.constant 0 : i32
      %dma_start3A_128 = tpu.memref_slice %arg2[%dma_start3A_126, %dma_start3A_127] : memref<1000000x32xf32, #tpu.memory_space<hbm>> -> memref<1000000x32xf32, #tpu.memory_space<hbm>>
      tpu.enqueue_indirect_dma source(%dma_start3A_128 : memref<1000000x32xf32, #tpu.memory_space<hbm>>) target(%dma_start3A_124 : memref<50x32xf32, #tpu.memory_space<vmem>>) offsets(%dma_start3A_125 : memref<50xi32, #tpu.memory_space<vmem>>) semaphore(%arg8 : memref<!tpu.dma_semaphore, #tpu.memory_space<semaphore_mem>>)
      %mul3A_129 = arith.constant 1024 : i32
      %mul3A_130 = arith.muli %mul3A_12, %mul3A_129 : i32
      %add3A_131 = arith.constant 576 : i32
      %add3A_132 = arith.addi %mul3A_130, %add3A_131 : i32
      %dma_start3A_133 = arith.constant 9 : i32
      %dma_start3A_134 = arith.constant 0 : i32
      %dma_start3A_135 = arith.constant 0 : i32
      %dma_start3A_136 = tpu.memref_slice %arg6[%dma_start3A_133, %dma_start3A_134, %dma_start3A_135] : memref<16x50x32xf32, #tpu.memory_space<vmem>> -> memref<1x50x32xf32, #tpu.memory_space<vmem>>
      %dma_start3A_137 = tpu.memref_squeeze %dma_start3A_136 : memref<1x50x32xf32, #tpu.memory_space<vmem>> -> memref<50x32xf32, #tpu.memory_space<vmem>>
      %dma_start3A_138 = tpu.memref_slice %arg5[%add3A_132] : memref<32768xi32, #tpu.memory_space<vmem>> -> memref<50xi32, #tpu.memory_space<vmem>>
      %dma_start3A_139 = arith.constant 0 : i32
      %dma_start3A_140 = arith.constant 0 : i32
      %dma_start3A_141 = tpu.memref_slice %arg2[%dma_start3A_139, %dma_start3A_140] : memref<1000000x32xf32, #tpu.memory_space<hbm>> -> memref<1000000x32xf32, #tpu.memory_space<hbm>>
      tpu.enqueue_indirect_dma source(%dma_start3A_141 : memref<1000000x32xf32, #tpu.memory_space<hbm>>) target(%dma_start3A_137 : memref<50x32xf32, #tpu.memory_space<vmem>>) offsets(%dma_start3A_138 : memref<50xi32, #tpu.memory_space<vmem>>) semaphore(%arg8 : memref<!tpu.dma_semaphore, #tpu.memory_space<semaphore_mem>>)
      %mul3A_142 = arith.constant 1024 : i32
      %mul3A_143 = arith.muli %mul3A_12, %mul3A_142 : i32
      %add3A_144 = arith.constant 640 : i32
      %add3A_145 = arith.addi %mul3A_143, %add3A_144 : i32
      %dma_start3A_146 = arith.constant 10 : i32
      %dma_start3A_147 = arith.constant 0 : i32
      %dma_start3A_148 = arith.constant 0 : i32
      %dma_start3A_149 = tpu.memref_slice %arg6[%dma_start3A_146, %dma_start3A_147, %dma_start3A_148] : memref<16x50x32xf32, #tpu.memory_space<vmem>> -> memref<1x50x32xf32, #tpu.memory_space<vmem>>
      %dma_start3A_150 = tpu.memref_squeeze %dma_start3A_149 : memref<1x50x32xf32, #tpu.memory_space<vmem>> -> memref<50x32xf32, #tpu.memory_space<vmem>>
      %dma_start3A_151 = tpu.memref_slice %arg5[%add3A_145] : memref<32768xi32, #tpu.memory_space<vmem>> -> memref<50xi32, #tpu.memory_space<vmem>>
      %dma_start3A_152 = arith.constant 0 : i32
      %dma_start3A_153 = arith.constant 0 : i32
      %dma_start3A_154 = tpu.memref_slice %arg2[%dma_start3A_152, %dma_start3A_153] : memref<1000000x32xf32, #tpu.memory_space<hbm>> -> memref<1000000x32xf32, #tpu.memory_space<hbm>>
      tpu.enqueue_indirect_dma source(%dma_start3A_154 : memref<1000000x32xf32, #tpu.memory_space<hbm>>) target(%dma_start3A_150 : memref<50x32xf32, #tpu.memory_space<vmem>>) offsets(%dma_start3A_151 : memref<50xi32, #tpu.memory_space<vmem>>) semaphore(%arg8 : memref<!tpu.dma_semaphore, #tpu.memory_space<semaphore_mem>>)
      %mul3A_155 = arith.constant 1024 : i32
      %mul3A_156 = arith.muli %mul3A_12, %mul3A_155 : i32
      %add3A_157 = arith.constant 704 : i32
      %add3A_158 = arith.addi %mul3A_156, %add3A_157 : i32
      %dma_start3A_159 = arith.constant 11 : i32
      %dma_start3A_160 = arith.constant 0 : i32
      %dma_start3A_161 = arith.constant 0 : i32
      %dma_start3A_162 = tpu.memref_slice %arg6[%dma_start3A_159, %dma_start3A_160, %dma_start3A_161] : memref<16x50x32xf32, #tpu.memory_space<vmem>> -> memref<1x50x32xf32, #tpu.memory_space<vmem>>
      %dma_start3A_163 = tpu.memref_squeeze %dma_start3A_162 : memref<1x50x32xf32, #tpu.memory_space<vmem>> -> memref<50x32xf32, #tpu.memory_space<vmem>>
      %dma_start3A_164 = tpu.memref_slice %arg5[%add3A_158] : memref<32768xi32, #tpu.memory_space<vmem>> -> memref<50xi32, #tpu.memory_space<vmem>>
      %dma_start3A_165 = arith.constant 0 : i32
      %dma_start3A_166 = arith.constant 0 : i32
      %dma_start3A_167 = tpu.memref_slice %arg2[%dma_start3A_165, %dma_start3A_166] : memref<1000000x32xf32, #tpu.memory_space<hbm>> -> memref<1000000x32xf32, #tpu.memory_space<hbm>>
      tpu.enqueue_indirect_dma source(%dma_start3A_167 : memref<1000000x32xf32, #tpu.memory_space<hbm>>) target(%dma_start3A_163 : memref<50x32xf32, #tpu.memory_space<vmem>>) offsets(%dma_start3A_164 : memref<50xi32, #tpu.memory_space<vmem>>) semaphore(%arg8 : memref<!tpu.dma_semaphore, #tpu.memory_space<semaphore_mem>>)
      %mul3A_168 = arith.constant 1024 : i32
      %mul3A_169 = arith.muli %mul3A_12, %mul3A_168 : i32
      %add3A_170 = arith.constant 768 : i32
      %add3A_171 = arith.addi %mul3A_169, %add3A_170 : i32
      %dma_start3A_172 = arith.constant 12 : i32
      %dma_start3A_173 = arith.constant 0 : i32
      %dma_start3A_174 = arith.constant 0 : i32
      %dma_start3A_175 = tpu.memref_slice %arg6[%dma_start3A_172, %dma_start3A_173, %dma_start3A_174] : memref<16x50x32xf32, #tpu.memory_space<vmem>> -> memref<1x50x32xf32, #tpu.memory_space<vmem>>
      %dma_start3A_176 = tpu.memref_squeeze %dma_start3A_175 : memref<1x50x32xf32, #tpu.memory_space<vmem>> -> memref<50x32xf32, #tpu.memory_space<vmem>>
      %dma_start3A_177 = tpu.memref_slice %arg5[%add3A_171] : memref<32768xi32, #tpu.memory_space<vmem>> -> memref<50xi32, #tpu.memory_space<vmem>>
      %dma_start3A_178 = arith.constant 0 : i32
      %dma_start3A_179 = arith.constant 0 : i32
      %dma_start3A_180 = tpu.memref_slice %arg2[%dma_start3A_178, %dma_start3A_179] : memref<1000000x32xf32, #tpu.memory_space<hbm>> -> memref<1000000x32xf32, #tpu.memory_space<hbm>>
      tpu.enqueue_indirect_dma source(%dma_start3A_180 : memref<1000000x32xf32, #tpu.memory_space<hbm>>) target(%dma_start3A_176 : memref<50x32xf32, #tpu.memory_space<vmem>>) offsets(%dma_start3A_177 : memref<50xi32, #tpu.memory_space<vmem>>) semaphore(%arg8 : memref<!tpu.dma_semaphore, #tpu.memory_space<semaphore_mem>>)
      %mul3A_181 = arith.constant 1024 : i32
      %mul3A_182 = arith.muli %mul3A_12, %mul3A_181 : i32
      %add3A_183 = arith.constant 832 : i32
      %add3A_184 = arith.addi %mul3A_182, %add3A_183 : i32
      %dma_start3A_185 = arith.constant 13 : i32
      %dma_start3A_186 = arith.constant 0 : i32
      %dma_start3A_187 = arith.constant 0 : i32
      %dma_start3A_188 = tpu.memref_slice %arg6[%dma_start3A_185, %dma_start3A_186, %dma_start3A_187] : memref<16x50x32xf32, #tpu.memory_space<vmem>> -> memref<1x50x32xf32, #tpu.memory_space<vmem>>
      %dma_start3A_189 = tpu.memref_squeeze %dma_start3A_188 : memref<1x50x32xf32, #tpu.memory_space<vmem>> -> memref<50x32xf32, #tpu.memory_space<vmem>>
      %dma_start3A_190 = tpu.memref_slice %arg5[%add3A_184] : memref<32768xi32, #tpu.memory_space<vmem>> -> memref<50xi32, #tpu.memory_space<vmem>>
      %dma_start3A_191 = arith.constant 0 : i32
      %dma_start3A_192 = arith.constant 0 : i32
      %dma_start3A_193 = tpu.memref_slice %arg2[%dma_start3A_191, %dma_start3A_192] : memref<1000000x32xf32, #tpu.memory_space<hbm>> -> memref<1000000x32xf32, #tpu.memory_space<hbm>>
      tpu.enqueue_indirect_dma source(%dma_start3A_193 : memref<1000000x32xf32, #tpu.memory_space<hbm>>) target(%dma_start3A_189 : memref<50x32xf32, #tpu.memory_space<vmem>>) offsets(%dma_start3A_190 : memref<50xi32, #tpu.memory_space<vmem>>) semaphore(%arg8 : memref<!tpu.dma_semaphore, #tpu.memory_space<semaphore_mem>>)
      %mul3A_194 = arith.constant 1024 : i32
      %mul3A_195 = arith.muli %mul3A_12, %mul3A_194 : i32
      %add3A_196 = arith.constant 896 : i32
      %add3A_197 = arith.addi %mul3A_195, %add3A_196 : i32
      %dma_start3A_198 = arith.constant 14 : i32
      %dma_start3A_199 = arith.constant 0 : i32
      %dma_start3A_200 = arith.constant 0 : i32
      %dma_start3A_201 = tpu.memref_slice %arg6[%dma_start3A_198, %dma_start3A_199, %dma_start3A_200] : memref<16x50x32xf32, #tpu.memory_space<vmem>> -> memref<1x50x32xf32, #tpu.memory_space<vmem>>
      %dma_start3A_202 = tpu.memref_squeeze %dma_start3A_201 : memref<1x50x32xf32, #tpu.memory_space<vmem>> -> memref<50x32xf32, #tpu.memory_space<vmem>>
      %dma_start3A_203 = tpu.memref_slice %arg5[%add3A_197] : memref<32768xi32, #tpu.memory_space<vmem>> -> memref<50xi32, #tpu.memory_space<vmem>>
      %dma_start3A_204 = arith.constant 0 : i32
      %dma_start3A_205 = arith.constant 0 : i32
      %dma_start3A_206 = tpu.memref_slice %arg2[%dma_start3A_204, %dma_start3A_205] : memref<1000000x32xf32, #tpu.memory_space<hbm>> -> memref<1000000x32xf32, #tpu.memory_space<hbm>>
      tpu.enqueue_indirect_dma source(%dma_start3A_206 : memref<1000000x32xf32, #tpu.memory_space<hbm>>) target(%dma_start3A_202 : memref<50x32xf32, #tpu.memory_space<vmem>>) offsets(%dma_start3A_203 : memref<50xi32, #tpu.memory_space<vmem>>) semaphore(%arg8 : memref<!tpu.dma_semaphore, #tpu.memory_space<semaphore_mem>>)
      %mul3A_207 = arith.constant 1024 : i32
      %mul3A_208 = arith.muli %mul3A_12, %mul3A_207 : i32
      %add3A_209 = arith.constant 960 : i32
      %add3A_210 = arith.addi %mul3A_208, %add3A_209 : i32
      %dma_start3A_211 = arith.constant 15 : i32
      %dma_start3A_212 = arith.constant 0 : i32
      %dma_start3A_213 = arith.constant 0 : i32
      %dma_start3A_214 = tpu.memref_slice %arg6[%dma_start3A_211, %dma_start3A_212, %dma_start3A_213] : memref<16x50x32xf32, #tpu.memory_space<vmem>> -> memref<1x50x32xf32, #tpu.memory_space<vmem>>
      %dma_start3A_215 = tpu.memref_squeeze %dma_start3A_214 : memref<1x50x32xf32, #tpu.memory_space<vmem>> -> memref<50x32xf32, #tpu.memory_space<vmem>>
      %dma_start3A_216 = tpu.memref_slice %arg5[%add3A_210] : memref<32768xi32, #tpu.memory_space<vmem>> -> memref<50xi32, #tpu.memory_space<vmem>>
      %dma_start3A_217 = arith.constant 0 : i32
      %dma_start3A_218 = arith.constant 0 : i32
      %dma_start3A_219 = tpu.memref_slice %arg2[%dma_start3A_217, %dma_start3A_218] : memref<1000000x32xf32, #tpu.memory_space<hbm>> -> memref<1000000x32xf32, #tpu.memory_space<hbm>>
      tpu.enqueue_indirect_dma source(%dma_start3A_219 : memref<1000000x32xf32, #tpu.memory_space<hbm>>) target(%dma_start3A_215 : memref<50x32xf32, #tpu.memory_space<vmem>>) offsets(%dma_start3A_216 : memref<50xi32, #tpu.memory_space<vmem>>) semaphore(%arg8 : memref<!tpu.dma_semaphore, #tpu.memory_space<semaphore_mem>>)
      %dma_wait3A = arith.constant 0 : i32
      %dma_wait3A_220 = arith.constant 0 : i32
      %dma_wait3A_221 = arith.constant 0 : i32
      %dma_wait3A_222 = tpu.memref_slice %arg6[%dma_wait3A, %dma_wait3A_220, %dma_wait3A_221] : memref<16x50x32xf32, #tpu.memory_space<vmem>> -> memref<1x50x32xf32, #tpu.memory_space<vmem>>
      %dma_wait3A_223 = tpu.memref_squeeze %dma_wait3A_222 : memref<1x50x32xf32, #tpu.memory_space<vmem>> -> memref<50x32xf32, #tpu.memory_space<vmem>>
      %dma_wait3A_224 = tpu.memref_slice %arg5[%add3A_16] : memref<32768xi32, #tpu.memory_space<vmem>> -> memref<50xi32, #tpu.memory_space<vmem>>
      %dma_wait3A_225 = arith.constant 0 : i32
      %dma_wait3A_226 = arith.constant 0 : i32
      %dma_wait3A_227 = tpu.memref_slice %arg2[%dma_wait3A_225, %dma_wait3A_226] : memref<1000000x32xf32, #tpu.memory_space<hbm>> -> memref<1000000x32xf32, #tpu.memory_space<hbm>>
      tpu.wait_indirect_dma semaphore(%arg8 : memref<!tpu.dma_semaphore, #tpu.memory_space<semaphore_mem>>) src(%dma_wait3A_227 : memref<1000000x32xf32, #tpu.memory_space<hbm>>) dst(%dma_wait3A_223 : memref<50x32xf32, #tpu.memory_space<vmem>>)
      %dma_wait3A_228 = arith.constant 1 : i32
      %dma_wait3A_229 = arith.constant 0 : i32
      %dma_wait3A_230 = arith.constant 0 : i32
      %dma_wait3A_231 = tpu.memref_slice %arg6[%dma_wait3A_228, %dma_wait3A_229, %dma_wait3A_230] : memref<16x50x32xf32, #tpu.memory_space<vmem>> -> memref<1x50x32xf32, #tpu.memory_space<vmem>>
      %dma_wait3A_232 = tpu.memref_squeeze %dma_wait3A_231 : memref<1x50x32xf32, #tpu.memory_space<vmem>> -> memref<50x32xf32, #tpu.memory_space<vmem>>
      %dma_wait3A_233 = tpu.memref_slice %arg5[%add3A_28] : memref<32768xi32, #tpu.memory_space<vmem>> -> memref<50xi32, #tpu.memory_space<vmem>>
      %dma_wait3A_234 = arith.constant 0 : i32
      %dma_wait3A_235 = arith.constant 0 : i32
      %dma_wait3A_236 = tpu.memref_slice %arg2[%dma_wait3A_234, %dma_wait3A_235] : memref<1000000x32xf32, #tpu.memory_space<hbm>> -> memref<1000000x32xf32, #tpu.memory_space<hbm>>
      tpu.wait_indirect_dma semaphore(%arg8 : memref<!tpu.dma_semaphore, #tpu.memory_space<semaphore_mem>>) src(%dma_wait3A_236 : memref<1000000x32xf32, #tpu.memory_space<hbm>>) dst(%dma_wait3A_232 : memref<50x32xf32, #tpu.memory_space<vmem>>)
      %dma_wait3A_237 = arith.constant 2 : i32
      %dma_wait3A_238 = arith.constant 0 : i32
      %dma_wait3A_239 = arith.constant 0 : i32
      %dma_wait3A_240 = tpu.memref_slice %arg6[%dma_wait3A_237, %dma_wait3A_238, %dma_wait3A_239] : memref<16x50x32xf32, #tpu.memory_space<vmem>> -> memref<1x50x32xf32, #tpu.memory_space<vmem>>
      %dma_wait3A_241 = tpu.memref_squeeze %dma_wait3A_240 : memref<1x50x32xf32, #tpu.memory_space<vmem>> -> memref<50x32xf32, #tpu.memory_space<vmem>>
      %dma_wait3A_242 = tpu.memref_slice %arg5[%add3A_41] : memref<32768xi32, #tpu.memory_space<vmem>> -> memref<50xi32, #tpu.memory_space<vmem>>
      %dma_wait3A_243 = arith.constant 0 : i32
      %dma_wait3A_244 = arith.constant 0 : i32
      %dma_wait3A_245 = tpu.memref_slice %arg2[%dma_wait3A_243, %dma_wait3A_244] : memref<1000000x32xf32, #tpu.memory_space<hbm>> -> memref<1000000x32xf32, #tpu.memory_space<hbm>>
      tpu.wait_indirect_dma semaphore(%arg8 : memref<!tpu.dma_semaphore, #tpu.memory_space<semaphore_mem>>) src(%dma_wait3A_245 : memref<1000000x32xf32, #tpu.memory_space<hbm>>) dst(%dma_wait3A_241 : memref<50x32xf32, #tpu.memory_space<vmem>>)
      %dma_wait3A_246 = arith.constant 3 : i32
      %dma_wait3A_247 = arith.constant 0 : i32
      %dma_wait3A_248 = arith.constant 0 : i32
      %dma_wait3A_249 = tpu.memref_slice %arg6[%dma_wait3A_246, %dma_wait3A_247, %dma_wait3A_248] : memref<16x50x32xf32, #tpu.memory_space<vmem>> -> memref<1x50x32xf32, #tpu.memory_space<vmem>>
      %dma_wait3A_250 = tpu.memref_squeeze %dma_wait3A_249 : memref<1x50x32xf32, #tpu.memory_space<vmem>> -> memref<50x32xf32, #tpu.memory_space<vmem>>
      %dma_wait3A_251 = tpu.memref_slice %arg5[%add3A_54] : memref<32768xi32, #tpu.memory_space<vmem>> -> memref<50xi32, #tpu.memory_space<vmem>>
      %dma_wait3A_252 = arith.constant 0 : i32
      %dma_wait3A_253 = arith.constant 0 : i32
      %dma_wait3A_254 = tpu.memref_slice %arg2[%dma_wait3A_252, %dma_wait3A_253] : memref<1000000x32xf32, #tpu.memory_space<hbm>> -> memref<1000000x32xf32, #tpu.memory_space<hbm>>
      tpu.wait_indirect_dma semaphore(%arg8 : memref<!tpu.dma_semaphore, #tpu.memory_space<semaphore_mem>>) src(%dma_wait3A_254 : memref<1000000x32xf32, #tpu.memory_space<hbm>>) dst(%dma_wait3A_250 : memref<50x32xf32, #tpu.memory_space<vmem>>)
      %dma_wait3A_255 = arith.constant 4 : i32
      %dma_wait3A_256 = arith.constant 0 : i32
      %dma_wait3A_257 = arith.constant 0 : i32
      %dma_wait3A_258 = tpu.memref_slice %arg6[%dma_wait3A_255, %dma_wait3A_256, %dma_wait3A_257] : memref<16x50x32xf32, #tpu.memory_space<vmem>> -> memref<1x50x32xf32, #tpu.memory_space<vmem>>
      %dma_wait3A_259 = tpu.memref_squeeze %dma_wait3A_258 : memref<1x50x32xf32, #tpu.memory_space<vmem>> -> memref<50x32xf32, #tpu.memory_space<vmem>>
      %dma_wait3A_260 = tpu.memref_slice %arg5[%add3A_67] : memref<32768xi32, #tpu.memory_space<vmem>> -> memref<50xi32, #tpu.memory_space<vmem>>
      %dma_wait3A_261 = arith.constant 0 : i32
      %dma_wait3A_262 = arith.constant 0 : i32
      %dma_wait3A_263 = tpu.memref_slice %arg2[%dma_wait3A_261, %dma_wait3A_262] : memref<1000000x32xf32, #tpu.memory_space<hbm>> -> memref<1000000x32xf32, #tpu.memory_space<hbm>>
      tpu.wait_indirect_dma semaphore(%arg8 : memref<!tpu.dma_semaphore, #tpu.memory_space<semaphore_mem>>) src(%dma_wait3A_263 : memref<1000000x32xf32, #tpu.memory_space<hbm>>) dst(%dma_wait3A_259 : memref<50x32xf32, #tpu.memory_space<vmem>>)
      %dma_wait3A_264 = arith.constant 5 : i32
      %dma_wait3A_265 = arith.constant 0 : i32
      %dma_wait3A_266 = arith.constant 0 : i32
      %dma_wait3A_267 = tpu.memref_slice %arg6[%dma_wait3A_264, %dma_wait3A_265, %dma_wait3A_266] : memref<16x50x32xf32, #tpu.memory_space<vmem>> -> memref<1x50x32xf32, #tpu.memory_space<vmem>>
      %dma_wait3A_268 = tpu.memref_squeeze %dma_wait3A_267 : memref<1x50x32xf32, #tpu.memory_space<vmem>> -> memref<50x32xf32, #tpu.memory_space<vmem>>
      %dma_wait3A_269 = tpu.memref_slice %arg5[%add3A_80] : memref<32768xi32, #tpu.memory_space<vmem>> -> memref<50xi32, #tpu.memory_space<vmem>>
      %dma_wait3A_270 = arith.constant 0 : i32
      %dma_wait3A_271 = arith.constant 0 : i32
      %dma_wait3A_272 = tpu.memref_slice %arg2[%dma_wait3A_270, %dma_wait3A_271] : memref<1000000x32xf32, #tpu.memory_space<hbm>> -> memref<1000000x32xf32, #tpu.memory_space<hbm>>
      tpu.wait_indirect_dma semaphore(%arg8 : memref<!tpu.dma_semaphore, #tpu.memory_space<semaphore_mem>>) src(%dma_wait3A_272 : memref<1000000x32xf32, #tpu.memory_space<hbm>>) dst(%dma_wait3A_268 : memref<50x32xf32, #tpu.memory_space<vmem>>)
      %dma_wait3A_273 = arith.constant 6 : i32
      %dma_wait3A_274 = arith.constant 0 : i32
      %dma_wait3A_275 = arith.constant 0 : i32
      %dma_wait3A_276 = tpu.memref_slice %arg6[%dma_wait3A_273, %dma_wait3A_274, %dma_wait3A_275] : memref<16x50x32xf32, #tpu.memory_space<vmem>> -> memref<1x50x32xf32, #tpu.memory_space<vmem>>
      %dma_wait3A_277 = tpu.memref_squeeze %dma_wait3A_276 : memref<1x50x32xf32, #tpu.memory_space<vmem>> -> memref<50x32xf32, #tpu.memory_space<vmem>>
      %dma_wait3A_278 = tpu.memref_slice %arg5[%add3A_93] : memref<32768xi32, #tpu.memory_space<vmem>> -> memref<50xi32, #tpu.memory_space<vmem>>
      %dma_wait3A_279 = arith.constant 0 : i32
      %dma_wait3A_280 = arith.constant 0 : i32
      %dma_wait3A_281 = tpu.memref_slice %arg2[%dma_wait3A_279, %dma_wait3A_280] : memref<1000000x32xf32, #tpu.memory_space<hbm>> -> memref<1000000x32xf32, #tpu.memory_space<hbm>>
      tpu.wait_indirect_dma semaphore(%arg8 : memref<!tpu.dma_semaphore, #tpu.memory_space<semaphore_mem>>) src(%dma_wait3A_281 : memref<1000000x32xf32, #tpu.memory_space<hbm>>) dst(%dma_wait3A_277 : memref<50x32xf32, #tpu.memory_space<vmem>>)
      %dma_wait3A_282 = arith.constant 7 : i32
      %dma_wait3A_283 = arith.constant 0 : i32
      %dma_wait3A_284 = arith.constant 0 : i32
      %dma_wait3A_285 = tpu.memref_slice %arg6[%dma_wait3A_282, %dma_wait3A_283, %dma_wait3A_284] : memref<16x50x32xf32, #tpu.memory_space<vmem>> -> memref<1x50x32xf32, #tpu.memory_space<vmem>>
      %dma_wait3A_286 = tpu.memref_squeeze %dma_wait3A_285 : memref<1x50x32xf32, #tpu.memory_space<vmem>> -> memref<50x32xf32, #tpu.memory_space<vmem>>
      %dma_wait3A_287 = tpu.memref_slice %arg5[%add3A_106] : memref<32768xi32, #tpu.memory_space<vmem>> -> memref<50xi32, #tpu.memory_space<vmem>>
      %dma_wait3A_288 = arith.constant 0 : i32
      %dma_wait3A_289 = arith.constant 0 : i32
      %dma_wait3A_290 = tpu.memref_slice %arg2[%dma_wait3A_288, %dma_wait3A_289] : memref<1000000x32xf32, #tpu.memory_space<hbm>> -> memref<1000000x32xf32, #tpu.memory_space<hbm>>
      tpu.wait_indirect_dma semaphore(%arg8 : memref<!tpu.dma_semaphore, #tpu.memory_space<semaphore_mem>>) src(%dma_wait3A_290 : memref<1000000x32xf32, #tpu.memory_space<hbm>>) dst(%dma_wait3A_286 : memref<50x32xf32, #tpu.memory_space<vmem>>)
      %dma_wait3A_291 = arith.constant 8 : i32
      %dma_wait3A_292 = arith.constant 0 : i32
      %dma_wait3A_293 = arith.constant 0 : i32
      %dma_wait3A_294 = tpu.memref_slice %arg6[%dma_wait3A_291, %dma_wait3A_292, %dma_wait3A_293] : memref<16x50x32xf32, #tpu.memory_space<vmem>> -> memref<1x50x32xf32, #tpu.memory_space<vmem>>
      %dma_wait3A_295 = tpu.memref_squeeze %dma_wait3A_294 : memref<1x50x32xf32, #tpu.memory_space<vmem>> -> memref<50x32xf32, #tpu.memory_space<vmem>>
      %dma_wait3A_296 = tpu.memref_slice %arg5[%add3A_119] : memref<32768xi32, #tpu.memory_space<vmem>> -> memref<50xi32, #tpu.memory_space<vmem>>
      %dma_wait3A_297 = arith.constant 0 : i32
      %dma_wait3A_298 = arith.constant 0 : i32
      %dma_wait3A_299 = tpu.memref_slice %arg2[%dma_wait3A_297, %dma_wait3A_298] : memref<1000000x32xf32, #tpu.memory_space<hbm>> -> memref<1000000x32xf32, #tpu.memory_space<hbm>>
      tpu.wait_indirect_dma semaphore(%arg8 : memref<!tpu.dma_semaphore, #tpu.memory_space<semaphore_mem>>) src(%dma_wait3A_299 : memref<1000000x32xf32, #tpu.memory_space<hbm>>) dst(%dma_wait3A_295 : memref<50x32xf32, #tpu.memory_space<vmem>>)
      %dma_wait3A_300 = arith.constant 9 : i32
      %dma_wait3A_301 = arith.constant 0 : i32
      %dma_wait3A_302 = arith.constant 0 : i32
      %dma_wait3A_303 = tpu.memref_slice %arg6[%dma_wait3A_300, %dma_wait3A_301, %dma_wait3A_302] : memref<16x50x32xf32, #tpu.memory_space<vmem>> -> memref<1x50x32xf32, #tpu.memory_space<vmem>>
      %dma_wait3A_304 = tpu.memref_squeeze %dma_wait3A_303 : memref<1x50x32xf32, #tpu.memory_space<vmem>> -> memref<50x32xf32, #tpu.memory_space<vmem>>
      %dma_wait3A_305 = tpu.memref_slice %arg5[%add3A_132] : memref<32768xi32, #tpu.memory_space<vmem>> -> memref<50xi32, #tpu.memory_space<vmem>>
      %dma_wait3A_306 = arith.constant 0 : i32
      %dma_wait3A_307 = arith.constant 0 : i32
      %dma_wait3A_308 = tpu.memref_slice %arg2[%dma_wait3A_306, %dma_wait3A_307] : memref<1000000x32xf32, #tpu.memory_space<hbm>> -> memref<1000000x32xf32, #tpu.memory_space<hbm>>
      tpu.wait_indirect_dma semaphore(%arg8 : memref<!tpu.dma_semaphore, #tpu.memory_space<semaphore_mem>>) src(%dma_wait3A_308 : memref<1000000x32xf32, #tpu.memory_space<hbm>>) dst(%dma_wait3A_304 : memref<50x32xf32, #tpu.memory_space<vmem>>)
      %dma_wait3A_309 = arith.constant 10 : i32
      %dma_wait3A_310 = arith.constant 0 : i32
      %dma_wait3A_311 = arith.constant 0 : i32
      %dma_wait3A_312 = tpu.memref_slice %arg6[%dma_wait3A_309, %dma_wait3A_310, %dma_wait3A_311] : memref<16x50x32xf32, #tpu.memory_space<vmem>> -> memref<1x50x32xf32, #tpu.memory_space<vmem>>
      %dma_wait3A_313 = tpu.memref_squeeze %dma_wait3A_312 : memref<1x50x32xf32, #tpu.memory_space<vmem>> -> memref<50x32xf32, #tpu.memory_space<vmem>>
      %dma_wait3A_314 = tpu.memref_slice %arg5[%add3A_145] : memref<32768xi32, #tpu.memory_space<vmem>> -> memref<50xi32, #tpu.memory_space<vmem>>
      %dma_wait3A_315 = arith.constant 0 : i32
      %dma_wait3A_316 = arith.constant 0 : i32
      %dma_wait3A_317 = tpu.memref_slice %arg2[%dma_wait3A_315, %dma_wait3A_316] : memref<1000000x32xf32, #tpu.memory_space<hbm>> -> memref<1000000x32xf32, #tpu.memory_space<hbm>>
      tpu.wait_indirect_dma semaphore(%arg8 : memref<!tpu.dma_semaphore, #tpu.memory_space<semaphore_mem>>) src(%dma_wait3A_317 : memref<1000000x32xf32, #tpu.memory_space<hbm>>) dst(%dma_wait3A_313 : memref<50x32xf32, #tpu.memory_space<vmem>>)
      %dma_wait3A_318 = arith.constant 11 : i32
      %dma_wait3A_319 = arith.constant 0 : i32
      %dma_wait3A_320 = arith.constant 0 : i32
      %dma_wait3A_321 = tpu.memref_slice %arg6[%dma_wait3A_318, %dma_wait3A_319, %dma_wait3A_320] : memref<16x50x32xf32, #tpu.memory_space<vmem>> -> memref<1x50x32xf32, #tpu.memory_space<vmem>>
      %dma_wait3A_322 = tpu.memref_squeeze %dma_wait3A_321 : memref<1x50x32xf32, #tpu.memory_space<vmem>> -> memref<50x32xf32, #tpu.memory_space<vmem>>
      %dma_wait3A_323 = tpu.memref_slice %arg5[%add3A_158] : memref<32768xi32, #tpu.memory_space<vmem>> -> memref<50xi32, #tpu.memory_space<vmem>>
      %dma_wait3A_324 = arith.constant 0 : i32
      %dma_wait3A_325 = arith.constant 0 : i32
      %dma_wait3A_326 = tpu.memref_slice %arg2[%dma_wait3A_324, %dma_wait3A_325] : memref<1000000x32xf32, #tpu.memory_space<hbm>> -> memref<1000000x32xf32, #tpu.memory_space<hbm>>
      tpu.wait_indirect_dma semaphore(%arg8 : memref<!tpu.dma_semaphore, #tpu.memory_space<semaphore_mem>>) src(%dma_wait3A_326 : memref<1000000x32xf32, #tpu.memory_space<hbm>>) dst(%dma_wait3A_322 : memref<50x32xf32, #tpu.memory_space<vmem>>)
      %dma_wait3A_327 = arith.constant 12 : i32
      %dma_wait3A_328 = arith.constant 0 : i32
      %dma_wait3A_329 = arith.constant 0 : i32
      %dma_wait3A_330 = tpu.memref_slice %arg6[%dma_wait3A_327, %dma_wait3A_328, %dma_wait3A_329] : memref<16x50x32xf32, #tpu.memory_space<vmem>> -> memref<1x50x32xf32, #tpu.memory_space<vmem>>
      %dma_wait3A_331 = tpu.memref_squeeze %dma_wait3A_330 : memref<1x50x32xf32, #tpu.memory_space<vmem>> -> memref<50x32xf32, #tpu.memory_space<vmem>>
      %dma_wait3A_332 = tpu.memref_slice %arg5[%add3A_171] : memref<32768xi32, #tpu.memory_space<vmem>> -> memref<50xi32, #tpu.memory_space<vmem>>
      %dma_wait3A_333 = arith.constant 0 : i32
      %dma_wait3A_334 = arith.constant 0 : i32
      %dma_wait3A_335 = tpu.memref_slice %arg2[%dma_wait3A_333, %dma_wait3A_334] : memref<1000000x32xf32, #tpu.memory_space<hbm>> -> memref<1000000x32xf32, #tpu.memory_space<hbm>>
      tpu.wait_indirect_dma semaphore(%arg8 : memref<!tpu.dma_semaphore, #tpu.memory_space<semaphore_mem>>) src(%dma_wait3A_335 : memref<1000000x32xf32, #tpu.memory_space<hbm>>) dst(%dma_wait3A_331 : memref<50x32xf32, #tpu.memory_space<vmem>>)
      %dma_wait3A_336 = arith.constant 13 : i32
      %dma_wait3A_337 = arith.constant 0 : i32
      %dma_wait3A_338 = arith.constant 0 : i32
      %dma_wait3A_339 = tpu.memref_slice %arg6[%dma_wait3A_336, %dma_wait3A_337, %dma_wait3A_338] : memref<16x50x32xf32, #tpu.memory_space<vmem>> -> memref<1x50x32xf32, #tpu.memory_space<vmem>>
      %dma_wait3A_340 = tpu.memref_squeeze %dma_wait3A_339 : memref<1x50x32xf32, #tpu.memory_space<vmem>> -> memref<50x32xf32, #tpu.memory_space<vmem>>
      %dma_wait3A_341 = tpu.memref_slice %arg5[%add3A_184] : memref<32768xi32, #tpu.memory_space<vmem>> -> memref<50xi32, #tpu.memory_space<vmem>>
      %dma_wait3A_342 = arith.constant 0 : i32
      %dma_wait3A_343 = arith.constant 0 : i32
      %dma_wait3A_344 = tpu.memref_slice %arg2[%dma_wait3A_342, %dma_wait3A_343] : memref<1000000x32xf32, #tpu.memory_space<hbm>> -> memref<1000000x32xf32, #tpu.memory_space<hbm>>
      tpu.wait_indirect_dma semaphore(%arg8 : memref<!tpu.dma_semaphore, #tpu.memory_space<semaphore_mem>>) src(%dma_wait3A_344 : memref<1000000x32xf32, #tpu.memory_space<hbm>>) dst(%dma_wait3A_340 : memref<50x32xf32, #tpu.memory_space<vmem>>)
      %dma_wait3A_345 = arith.constant 14 : i32
      %dma_wait3A_346 = arith.constant 0 : i32
      %dma_wait3A_347 = arith.constant 0 : i32
      %dma_wait3A_348 = tpu.memref_slice %arg6[%dma_wait3A_345, %dma_wait3A_346, %dma_wait3A_347] : memref<16x50x32xf32, #tpu.memory_space<vmem>> -> memref<1x50x32xf32, #tpu.memory_space<vmem>>
      %dma_wait3A_349 = tpu.memref_squeeze %dma_wait3A_348 : memref<1x50x32xf32, #tpu.memory_space<vmem>> -> memref<50x32xf32, #tpu.memory_space<vmem>>
      %dma_wait3A_350 = tpu.memref_slice %arg5[%add3A_197] : memref<32768xi32, #tpu.memory_space<vmem>> -> memref<50xi32, #tpu.memory_space<vmem>>
      %dma_wait3A_351 = arith.constant 0 : i32
      %dma_wait3A_352 = arith.constant 0 : i32
      %dma_wait3A_353 = tpu.memref_slice %arg2[%dma_wait3A_351, %dma_wait3A_352] : memref<1000000x32xf32, #tpu.memory_space<hbm>> -> memref<1000000x32xf32, #tpu.memory_space<hbm>>
      tpu.wait_indirect_dma semaphore(%arg8 : memref<!tpu.dma_semaphore, #tpu.memory_space<semaphore_mem>>) src(%dma_wait3A_353 : memref<1000000x32xf32, #tpu.memory_space<hbm>>) dst(%dma_wait3A_349 : memref<50x32xf32, #tpu.memory_space<vmem>>)
      %dma_wait3A_354 = arith.constant 15 : i32
      %dma_wait3A_355 = arith.constant 0 : i32
      %dma_wait3A_356 = arith.constant 0 : i32
      %dma_wait3A_357 = tpu.memref_slice %arg6[%dma_wait3A_354, %dma_wait3A_355, %dma_wait3A_356] : memref<16x50x32xf32, #tpu.memory_space<vmem>> -> memref<1x50x32xf32, #tpu.memory_space<vmem>>
      %dma_wait3A_358 = tpu.memref_squeeze %dma_wait3A_357 : memref<1x50x32xf32, #tpu.memory_space<vmem>> -> memref<50x32xf32, #tpu.memory_space<vmem>>
      %dma_wait3A_359 = tpu.memref_slice %arg5[%add3A_210] : memref<32768xi32, #tpu.memory_space<vmem>> -> memref<50xi32, #tpu.memory_space<vmem>>
      %dma_wait3A_360 = arith.constant 0 : i32
      %dma_wait3A_361 = arith.constant 0 : i32
      %dma_wait3A_362 = tpu.memref_slice %arg2[%dma_wait3A_360, %dma_wait3A_361] : memref<1000000x32xf32, #tpu.memory_space<hbm>> -> memref<1000000x32xf32, #tpu.memory_space<hbm>>
      tpu.wait_indirect_dma semaphore(%arg8 : memref<!tpu.dma_semaphore, #tpu.memory_space<semaphore_mem>>) src(%dma_wait3A_362 : memref<1000000x32xf32, #tpu.memory_space<hbm>>) dst(%dma_wait3A_358 : memref<50x32xf32, #tpu.memory_space<vmem>>)
      %mul3A_363 = arith.constant 16 : i32
      %mul3A_364 = arith.muli %mul3A_12, %mul3A_363 : i32
      %add3A_365 = arith.addi %mul3A_4, %mul3A_364 : i32
      %dma_start3A_366 = arith.constant 0 : i32
      %dma_start3A_367 = arith.constant 0 : i32
      %dma_start3A_368 = tpu.memref_slice %arg4[%add3A_365, %dma_start3A_366, %dma_start3A_367] : memref<16384x50x32xf32, #tpu.memory_space<hbm>> -> memref<16x50x32xf32, #tpu.memory_space<hbm>>
      %dma_start3A_369 = arith.constant 0 : i32
      %dma_start3A_370 = arith.constant 0 : i32
      %dma_start3A_371 = tpu.memref_slice %arg4[%add3A_365, %dma_start3A_369, %dma_start3A_370] : memref<16384x50x32xf32, #tpu.memory_space<hbm>> -> memref<16x50x32xf32, #tpu.memory_space<hbm>>
      tpu.enqueue_dma source(%arg6 : memref<16x50x32xf32, #tpu.memory_space<vmem>>) target(%dma_start3A_371 : memref<16x50x32xf32, #tpu.memory_space<hbm>>) target_semaphore(%arg10 : memref<!tpu.dma_semaphore, #tpu.memory_space<semaphore_mem>>)
      %add3A_372 = arith.constant 1 : i32
      %add3A_373 = arith.addi %mul3A_12, %add3A_372 : i32
      %mul3A_374 = arith.constant 1024 : i32
      %mul3A_375 = arith.muli %add3A_373, %mul3A_374 : i32
      %add3A_376 = arith.constant 0 : i32
      %add3A_377 = arith.addi %mul3A_375, %add3A_376 : i32
      %dma_start3A_378 = arith.constant 0 : i32
      %dma_start3A_379 = arith.constant 0 : i32
      %dma_start3A_380 = arith.constant 0 : i32
      %dma_start3A_381 = tpu.memref_slice %arg7[%dma_start3A_378, %dma_start3A_379, %dma_start3A_380] : memref<16x50x32xf32, #tpu.memory_space<vmem>> -> memref<1x50x32xf32, #tpu.memory_space<vmem>>
      %dma_start3A_382 = tpu.memref_squeeze %dma_start3A_381 : memref<1x50x32xf32, #tpu.memory_space<vmem>> -> memref<50x32xf32, #tpu.memory_space<vmem>>
      %dma_start3A_383 = tpu.memref_slice %arg5[%add3A_377] : memref<32768xi32, #tpu.memory_space<vmem>> -> memref<50xi32, #tpu.memory_space<vmem>>
      %dma_start3A_384 = arith.constant 0 : i32
      %dma_start3A_385 = arith.constant 0 : i32
      %dma_start3A_386 = tpu.memref_slice %arg2[%dma_start3A_384, %dma_start3A_385] : memref<1000000x32xf32, #tpu.memory_space<hbm>> -> memref<1000000x32xf32, #tpu.memory_space<hbm>>
      tpu.enqueue_indirect_dma source(%dma_start3A_386 : memref<1000000x32xf32, #tpu.memory_space<hbm>>) target(%dma_start3A_382 : memref<50x32xf32, #tpu.memory_space<vmem>>) offsets(%dma_start3A_383 : memref<50xi32, #tpu.memory_space<vmem>>) semaphore(%arg9 : memref<!tpu.dma_semaphore, #tpu.memory_space<semaphore_mem>>)
      %mul3A_387 = arith.constant 1024 : i32
      %mul3A_388 = arith.muli %add3A_373, %mul3A_387 : i32
      %add3A_389 = arith.constant 64 : i32
      %add3A_390 = arith.addi %mul3A_388, %add3A_389 : i32
      %dma_start3A_391 = arith.constant 1 : i32
      %dma_start3A_392 = arith.constant 0 : i32
      %dma_start3A_393 = arith.constant 0 : i32
      %dma_start3A_394 = tpu.memref_slice %arg7[%dma_start3A_391, %dma_start3A_392, %dma_start3A_393] : memref<16x50x32xf32, #tpu.memory_space<vmem>> -> memref<1x50x32xf32, #tpu.memory_space<vmem>>
      %dma_start3A_395 = tpu.memref_squeeze %dma_start3A_394 : memref<1x50x32xf32, #tpu.memory_space<vmem>> -> memref<50x32xf32, #tpu.memory_space<vmem>>
      %dma_start3A_396 = tpu.memref_slice %arg5[%add3A_390] : memref<32768xi32, #tpu.memory_space<vmem>> -> memref<50xi32, #tpu.memory_space<vmem>>
      %dma_start3A_397 = arith.constant 0 : i32
      %dma_start3A_398 = arith.constant 0 : i32
      %dma_start3A_399 = tpu.memref_slice %arg2[%dma_start3A_397, %dma_start3A_398] : memref<1000000x32xf32, #tpu.memory_space<hbm>> -> memref<1000000x32xf32, #tpu.memory_space<hbm>>
      tpu.enqueue_indirect_dma source(%dma_start3A_399 : memref<1000000x32xf32, #tpu.memory_space<hbm>>) target(%dma_start3A_395 : memref<50x32xf32, #tpu.memory_space<vmem>>) offsets(%dma_start3A_396 : memref<50xi32, #tpu.memory_space<vmem>>) semaphore(%arg9 : memref<!tpu.dma_semaphore, #tpu.memory_space<semaphore_mem>>)
      %mul3A_400 = arith.constant 1024 : i32
      %mul3A_401 = arith.muli %add3A_373, %mul3A_400 : i32
      %add3A_402 = arith.constant 128 : i32
      %add3A_403 = arith.addi %mul3A_401, %add3A_402 : i32
      %dma_start3A_404 = arith.constant 2 : i32
      %dma_start3A_405 = arith.constant 0 : i32
      %dma_start3A_406 = arith.constant 0 : i32
      %dma_start3A_407 = tpu.memref_slice %arg7[%dma_start3A_404, %dma_start3A_405, %dma_start3A_406] : memref<16x50x32xf32, #tpu.memory_space<vmem>> -> memref<1x50x32xf32, #tpu.memory_space<vmem>>
      %dma_start3A_408 = tpu.memref_squeeze %dma_start3A_407 : memref<1x50x32xf32, #tpu.memory_space<vmem>> -> memref<50x32xf32, #tpu.memory_space<vmem>>
      %dma_start3A_409 = tpu.memref_slice %arg5[%add3A_403] : memref<32768xi32, #tpu.memory_space<vmem>> -> memref<50xi32, #tpu.memory_space<vmem>>
      %dma_start3A_410 = arith.constant 0 : i32
      %dma_start3A_411 = arith.constant 0 : i32
      %dma_start3A_412 = tpu.memref_slice %arg2[%dma_start3A_410, %dma_start3A_411] : memref<1000000x32xf32, #tpu.memory_space<hbm>> -> memref<1000000x32xf32, #tpu.memory_space<hbm>>
      tpu.enqueue_indirect_dma source(%dma_start3A_412 : memref<1000000x32xf32, #tpu.memory_space<hbm>>) target(%dma_start3A_408 : memref<50x32xf32, #tpu.memory_space<vmem>>) offsets(%dma_start3A_409 : memref<50xi32, #tpu.memory_space<vmem>>) semaphore(%arg9 : memref<!tpu.dma_semaphore, #tpu.memory_space<semaphore_mem>>)
      %mul3A_413 = arith.constant 1024 : i32
      %mul3A_414 = arith.muli %add3A_373, %mul3A_413 : i32
      %add3A_415 = arith.constant 192 : i32
      %add3A_416 = arith.addi %mul3A_414, %add3A_415 : i32
      %dma_start3A_417 = arith.constant 3 : i32
      %dma_start3A_418 = arith.constant 0 : i32
      %dma_start3A_419 = arith.constant 0 : i32
      %dma_start3A_420 = tpu.memref_slice %arg7[%dma_start3A_417, %dma_start3A_418, %dma_start3A_419] : memref<16x50x32xf32, #tpu.memory_space<vmem>> -> memref<1x50x32xf32, #tpu.memory_space<vmem>>
      %dma_start3A_421 = tpu.memref_squeeze %dma_start3A_420 : memref<1x50x32xf32, #tpu.memory_space<vmem>> -> memref<50x32xf32, #tpu.memory_space<vmem>>
      %dma_start3A_422 = tpu.memref_slice %arg5[%add3A_416] : memref<32768xi32, #tpu.memory_space<vmem>> -> memref<50xi32, #tpu.memory_space<vmem>>
      %dma_start3A_423 = arith.constant 0 : i32
      %dma_start3A_424 = arith.constant 0 : i32
      %dma_start3A_425 = tpu.memref_slice %arg2[%dma_start3A_423, %dma_start3A_424] : memref<1000000x32xf32, #tpu.memory_space<hbm>> -> memref<1000000x32xf32, #tpu.memory_space<hbm>>
      tpu.enqueue_indirect_dma source(%dma_start3A_425 : memref<1000000x32xf32, #tpu.memory_space<hbm>>) target(%dma_start3A_421 : memref<50x32xf32, #tpu.memory_space<vmem>>) offsets(%dma_start3A_422 : memref<50xi32, #tpu.memory_space<vmem>>) semaphore(%arg9 : memref<!tpu.dma_semaphore, #tpu.memory_space<semaphore_mem>>)
      %mul3A_426 = arith.constant 1024 : i32
      %mul3A_427 = arith.muli %add3A_373, %mul3A_426 : i32
      %add3A_428 = arith.constant 256 : i32
      %add3A_429 = arith.addi %mul3A_427, %add3A_428 : i32
      %dma_start3A_430 = arith.constant 4 : i32
      %dma_start3A_431 = arith.constant 0 : i32
      %dma_start3A_432 = arith.constant 0 : i32
      %dma_start3A_433 = tpu.memref_slice %arg7[%dma_start3A_430, %dma_start3A_431, %dma_start3A_432] : memref<16x50x32xf32, #tpu.memory_space<vmem>> -> memref<1x50x32xf32, #tpu.memory_space<vmem>>
      %dma_start3A_434 = tpu.memref_squeeze %dma_start3A_433 : memref<1x50x32xf32, #tpu.memory_space<vmem>> -> memref<50x32xf32, #tpu.memory_space<vmem>>
      %dma_start3A_435 = tpu.memref_slice %arg5[%add3A_429] : memref<32768xi32, #tpu.memory_space<vmem>> -> memref<50xi32, #tpu.memory_space<vmem>>
      %dma_start3A_436 = arith.constant 0 : i32
      %dma_start3A_437 = arith.constant 0 : i32
      %dma_start3A_438 = tpu.memref_slice %arg2[%dma_start3A_436, %dma_start3A_437] : memref<1000000x32xf32, #tpu.memory_space<hbm>> -> memref<1000000x32xf32, #tpu.memory_space<hbm>>
      tpu.enqueue_indirect_dma source(%dma_start3A_438 : memref<1000000x32xf32, #tpu.memory_space<hbm>>) target(%dma_start3A_434 : memref<50x32xf32, #tpu.memory_space<vmem>>) offsets(%dma_start3A_435 : memref<50xi32, #tpu.memory_space<vmem>>) semaphore(%arg9 : memref<!tpu.dma_semaphore, #tpu.memory_space<semaphore_mem>>)
      %mul3A_439 = arith.constant 1024 : i32
      %mul3A_440 = arith.muli %add3A_373, %mul3A_439 : i32
      %add3A_441 = arith.constant 320 : i32
      %add3A_442 = arith.addi %mul3A_440, %add3A_441 : i32
      %dma_start3A_443 = arith.constant 5 : i32
      %dma_start3A_444 = arith.constant 0 : i32
      %dma_start3A_445 = arith.constant 0 : i32
      %dma_start3A_446 = tpu.memref_slice %arg7[%dma_start3A_443, %dma_start3A_444, %dma_start3A_445] : memref<16x50x32xf32, #tpu.memory_space<vmem>> -> memref<1x50x32xf32, #tpu.memory_space<vmem>>
      %dma_start3A_447 = tpu.memref_squeeze %dma_start3A_446 : memref<1x50x32xf32, #tpu.memory_space<vmem>> -> memref<50x32xf32, #tpu.memory_space<vmem>>
      %dma_start3A_448 = tpu.memref_slice %arg5[%add3A_442] : memref<32768xi32, #tpu.memory_space<vmem>> -> memref<50xi32, #tpu.memory_space<vmem>>
      %dma_start3A_449 = arith.constant 0 : i32
      %dma_start3A_450 = arith.constant 0 : i32
      %dma_start3A_451 = tpu.memref_slice %arg2[%dma_start3A_449, %dma_start3A_450] : memref<1000000x32xf32, #tpu.memory_space<hbm>> -> memref<1000000x32xf32, #tpu.memory_space<hbm>>
      tpu.enqueue_indirect_dma source(%dma_start3A_451 : memref<1000000x32xf32, #tpu.memory_space<hbm>>) target(%dma_start3A_447 : memref<50x32xf32, #tpu.memory_space<vmem>>) offsets(%dma_start3A_448 : memref<50xi32, #tpu.memory_space<vmem>>) semaphore(%arg9 : memref<!tpu.dma_semaphore, #tpu.memory_space<semaphore_mem>>)
      %mul3A_452 = arith.constant 1024 : i32
      %mul3A_453 = arith.muli %add3A_373, %mul3A_452 : i32
      %add3A_454 = arith.constant 384 : i32
      %add3A_455 = arith.addi %mul3A_453, %add3A_454 : i32
      %dma_start3A_456 = arith.constant 6 : i32
      %dma_start3A_457 = arith.constant 0 : i32
      %dma_start3A_458 = arith.constant 0 : i32
      %dma_start3A_459 = tpu.memref_slice %arg7[%dma_start3A_456, %dma_start3A_457, %dma_start3A_458] : memref<16x50x32xf32, #tpu.memory_space<vmem>> -> memref<1x50x32xf32, #tpu.memory_space<vmem>>
      %dma_start3A_460 = tpu.memref_squeeze %dma_start3A_459 : memref<1x50x32xf32, #tpu.memory_space<vmem>> -> memref<50x32xf32, #tpu.memory_space<vmem>>
      %dma_start3A_461 = tpu.memref_slice %arg5[%add3A_455] : memref<32768xi32, #tpu.memory_space<vmem>> -> memref<50xi32, #tpu.memory_space<vmem>>
      %dma_start3A_462 = arith.constant 0 : i32
      %dma_start3A_463 = arith.constant 0 : i32
      %dma_start3A_464 = tpu.memref_slice %arg2[%dma_start3A_462, %dma_start3A_463] : memref<1000000x32xf32, #tpu.memory_space<hbm>> -> memref<1000000x32xf32, #tpu.memory_space<hbm>>
      tpu.enqueue_indirect_dma source(%dma_start3A_464 : memref<1000000x32xf32, #tpu.memory_space<hbm>>) target(%dma_start3A_460 : memref<50x32xf32, #tpu.memory_space<vmem>>) offsets(%dma_start3A_461 : memref<50xi32, #tpu.memory_space<vmem>>) semaphore(%arg9 : memref<!tpu.dma_semaphore, #tpu.memory_space<semaphore_mem>>)
      %mul3A_465 = arith.constant 1024 : i32
      %mul3A_466 = arith.muli %add3A_373, %mul3A_465 : i32
      %add3A_467 = arith.constant 448 : i32
      %add3A_468 = arith.addi %mul3A_466, %add3A_467 : i32
      %dma_start3A_469 = arith.constant 7 : i32
      %dma_start3A_470 = arith.constant 0 : i32
      %dma_start3A_471 = arith.constant 0 : i32
      %dma_start3A_472 = tpu.memref_slice %arg7[%dma_start3A_469, %dma_start3A_470, %dma_start3A_471] : memref<16x50x32xf32, #tpu.memory_space<vmem>> -> memref<1x50x32xf32, #tpu.memory_space<vmem>>
      %dma_start3A_473 = tpu.memref_squeeze %dma_start3A_472 : memref<1x50x32xf32, #tpu.memory_space<vmem>> -> memref<50x32xf32, #tpu.memory_space<vmem>>
      %dma_start3A_474 = tpu.memref_slice %arg5[%add3A_468] : memref<32768xi32, #tpu.memory_space<vmem>> -> memref<50xi32, #tpu.memory_space<vmem>>
      %dma_start3A_475 = arith.constant 0 : i32
      %dma_start3A_476 = arith.constant 0 : i32
      %dma_start3A_477 = tpu.memref_slice %arg2[%dma_start3A_475, %dma_start3A_476] : memref<1000000x32xf32, #tpu.memory_space<hbm>> -> memref<1000000x32xf32, #tpu.memory_space<hbm>>
      tpu.enqueue_indirect_dma source(%dma_start3A_477 : memref<1000000x32xf32, #tpu.memory_space<hbm>>) target(%dma_start3A_473 : memref<50x32xf32, #tpu.memory_space<vmem>>) offsets(%dma_start3A_474 : memref<50xi32, #tpu.memory_space<vmem>>) semaphore(%arg9 : memref<!tpu.dma_semaphore, #tpu.memory_space<semaphore_mem>>)
      %mul3A_478 = arith.constant 1024 : i32
      %mul3A_479 = arith.muli %add3A_373, %mul3A_478 : i32
      %add3A_480 = arith.constant 512 : i32
      %add3A_481 = arith.addi %mul3A_479, %add3A_480 : i32
      %dma_start3A_482 = arith.constant 8 : i32
      %dma_start3A_483 = arith.constant 0 : i32
      %dma_start3A_484 = arith.constant 0 : i32
      %dma_start3A_485 = tpu.memref_slice %arg7[%dma_start3A_482, %dma_start3A_483, %dma_start3A_484] : memref<16x50x32xf32, #tpu.memory_space<vmem>> -> memref<1x50x32xf32, #tpu.memory_space<vmem>>
      %dma_start3A_486 = tpu.memref_squeeze %dma_start3A_485 : memref<1x50x32xf32, #tpu.memory_space<vmem>> -> memref<50x32xf32, #tpu.memory_space<vmem>>
      %dma_start3A_487 = tpu.memref_slice %arg5[%add3A_481] : memref<32768xi32, #tpu.memory_space<vmem>> -> memref<50xi32, #tpu.memory_space<vmem>>
      %dma_start3A_488 = arith.constant 0 : i32
      %dma_start3A_489 = arith.constant 0 : i32
      %dma_start3A_490 = tpu.memref_slice %arg2[%dma_start3A_488, %dma_start3A_489] : memref<1000000x32xf32, #tpu.memory_space<hbm>> -> memref<1000000x32xf32, #tpu.memory_space<hbm>>
      tpu.enqueue_indirect_dma source(%dma_start3A_490 : memref<1000000x32xf32, #tpu.memory_space<hbm>>) target(%dma_start3A_486 : memref<50x32xf32, #tpu.memory_space<vmem>>) offsets(%dma_start3A_487 : memref<50xi32, #tpu.memory_space<vmem>>) semaphore(%arg9 : memref<!tpu.dma_semaphore, #tpu.memory_space<semaphore_mem>>)
      %mul3A_491 = arith.constant 1024 : i32
      %mul3A_492 = arith.muli %add3A_373, %mul3A_491 : i32
      %add3A_493 = arith.constant 576 : i32
      %add3A_494 = arith.addi %mul3A_492, %add3A_493 : i32
      %dma_start3A_495 = arith.constant 9 : i32
      %dma_start3A_496 = arith.constant 0 : i32
      %dma_start3A_497 = arith.constant 0 : i32
      %dma_start3A_498 = tpu.memref_slice %arg7[%dma_start3A_495, %dma_start3A_496, %dma_start3A_497] : memref<16x50x32xf32, #tpu.memory_space<vmem>> -> memref<1x50x32xf32, #tpu.memory_space<vmem>>
      %dma_start3A_499 = tpu.memref_squeeze %dma_start3A_498 : memref<1x50x32xf32, #tpu.memory_space<vmem>> -> memref<50x32xf32, #tpu.memory_space<vmem>>
      %dma_start3A_500 = tpu.memref_slice %arg5[%add3A_494] : memref<32768xi32, #tpu.memory_space<vmem>> -> memref<50xi32, #tpu.memory_space<vmem>>
      %dma_start3A_501 = arith.constant 0 : i32
      %dma_start3A_502 = arith.constant 0 : i32
      %dma_start3A_503 = tpu.memref_slice %arg2[%dma_start3A_501, %dma_start3A_502] : memref<1000000x32xf32, #tpu.memory_space<hbm>> -> memref<1000000x32xf32, #tpu.memory_space<hbm>>
      tpu.enqueue_indirect_dma source(%dma_start3A_503 : memref<1000000x32xf32, #tpu.memory_space<hbm>>) target(%dma_start3A_499 : memref<50x32xf32, #tpu.memory_space<vmem>>) offsets(%dma_start3A_500 : memref<50xi32, #tpu.memory_space<vmem>>) semaphore(%arg9 : memref<!tpu.dma_semaphore, #tpu.memory_space<semaphore_mem>>)
      %mul3A_504 = arith.constant 1024 : i32
      %mul3A_505 = arith.muli %add3A_373, %mul3A_504 : i32
      %add3A_506 = arith.constant 640 : i32
      %add3A_507 = arith.addi %mul3A_505, %add3A_506 : i32
      %dma_start3A_508 = arith.constant 10 : i32
      %dma_start3A_509 = arith.constant 0 : i32
      %dma_start3A_510 = arith.constant 0 : i32
      %dma_start3A_511 = tpu.memref_slice %arg7[%dma_start3A_508, %dma_start3A_509, %dma_start3A_510] : memref<16x50x32xf32, #tpu.memory_space<vmem>> -> memref<1x50x32xf32, #tpu.memory_space<vmem>>
      %dma_start3A_512 = tpu.memref_squeeze %dma_start3A_511 : memref<1x50x32xf32, #tpu.memory_space<vmem>> -> memref<50x32xf32, #tpu.memory_space<vmem>>
      %dma_start3A_513 = tpu.memref_slice %arg5[%add3A_507] : memref<32768xi32, #tpu.memory_space<vmem>> -> memref<50xi32, #tpu.memory_space<vmem>>
      %dma_start3A_514 = arith.constant 0 : i32
      %dma_start3A_515 = arith.constant 0 : i32
      %dma_start3A_516 = tpu.memref_slice %arg2[%dma_start3A_514, %dma_start3A_515] : memref<1000000x32xf32, #tpu.memory_space<hbm>> -> memref<1000000x32xf32, #tpu.memory_space<hbm>>
      tpu.enqueue_indirect_dma source(%dma_start3A_516 : memref<1000000x32xf32, #tpu.memory_space<hbm>>) target(%dma_start3A_512 : memref<50x32xf32, #tpu.memory_space<vmem>>) offsets(%dma_start3A_513 : memref<50xi32, #tpu.memory_space<vmem>>) semaphore(%arg9 : memref<!tpu.dma_semaphore, #tpu.memory_space<semaphore_mem>>)
      %mul3A_517 = arith.constant 1024 : i32
      %mul3A_518 = arith.muli %add3A_373, %mul3A_517 : i32
      %add3A_519 = arith.constant 704 : i32
      %add3A_520 = arith.addi %mul3A_518, %add3A_519 : i32
      %dma_start3A_521 = arith.constant 11 : i32
      %dma_start3A_522 = arith.constant 0 : i32
      %dma_start3A_523 = arith.constant 0 : i32
      %dma_start3A_524 = tpu.memref_slice %arg7[%dma_start3A_521, %dma_start3A_522, %dma_start3A_523] : memref<16x50x32xf32, #tpu.memory_space<vmem>> -> memref<1x50x32xf32, #tpu.memory_space<vmem>>
      %dma_start3A_525 = tpu.memref_squeeze %dma_start3A_524 : memref<1x50x32xf32, #tpu.memory_space<vmem>> -> memref<50x32xf32, #tpu.memory_space<vmem>>
      %dma_start3A_526 = tpu.memref_slice %arg5[%add3A_520] : memref<32768xi32, #tpu.memory_space<vmem>> -> memref<50xi32, #tpu.memory_space<vmem>>
      %dma_start3A_527 = arith.constant 0 : i32
      %dma_start3A_528 = arith.constant 0 : i32
      %dma_start3A_529 = tpu.memref_slice %arg2[%dma_start3A_527, %dma_start3A_528] : memref<1000000x32xf32, #tpu.memory_space<hbm>> -> memref<1000000x32xf32, #tpu.memory_space<hbm>>
      tpu.enqueue_indirect_dma source(%dma_start3A_529 : memref<1000000x32xf32, #tpu.memory_space<hbm>>) target(%dma_start3A_525 : memref<50x32xf32, #tpu.memory_space<vmem>>) offsets(%dma_start3A_526 : memref<50xi32, #tpu.memory_space<vmem>>) semaphore(%arg9 : memref<!tpu.dma_semaphore, #tpu.memory_space<semaphore_mem>>)
      %mul3A_530 = arith.constant 1024 : i32
      %mul3A_531 = arith.muli %add3A_373, %mul3A_530 : i32
      %add3A_532 = arith.constant 768 : i32
      %add3A_533 = arith.addi %mul3A_531, %add3A_532 : i32
      %dma_start3A_534 = arith.constant 12 : i32
      %dma_start3A_535 = arith.constant 0 : i32
      %dma_start3A_536 = arith.constant 0 : i32
      %dma_start3A_537 = tpu.memref_slice %arg7[%dma_start3A_534, %dma_start3A_535, %dma_start3A_536] : memref<16x50x32xf32, #tpu.memory_space<vmem>> -> memref<1x50x32xf32, #tpu.memory_space<vmem>>
      %dma_start3A_538 = tpu.memref_squeeze %dma_start3A_537 : memref<1x50x32xf32, #tpu.memory_space<vmem>> -> memref<50x32xf32, #tpu.memory_space<vmem>>
      %dma_start3A_539 = tpu.memref_slice %arg5[%add3A_533] : memref<32768xi32, #tpu.memory_space<vmem>> -> memref<50xi32, #tpu.memory_space<vmem>>
      %dma_start3A_540 = arith.constant 0 : i32
      %dma_start3A_541 = arith.constant 0 : i32
      %dma_start3A_542 = tpu.memref_slice %arg2[%dma_start3A_540, %dma_start3A_541] : memref<1000000x32xf32, #tpu.memory_space<hbm>> -> memref<1000000x32xf32, #tpu.memory_space<hbm>>
      tpu.enqueue_indirect_dma source(%dma_start3A_542 : memref<1000000x32xf32, #tpu.memory_space<hbm>>) target(%dma_start3A_538 : memref<50x32xf32, #tpu.memory_space<vmem>>) offsets(%dma_start3A_539 : memref<50xi32, #tpu.memory_space<vmem>>) semaphore(%arg9 : memref<!tpu.dma_semaphore, #tpu.memory_space<semaphore_mem>>)
      %mul3A_543 = arith.constant 1024 : i32
      %mul3A_544 = arith.muli %add3A_373, %mul3A_543 : i32
      %add3A_545 = arith.constant 832 : i32
      %add3A_546 = arith.addi %mul3A_544, %add3A_545 : i32
      %dma_start3A_547 = arith.constant 13 : i32
      %dma_start3A_548 = arith.constant 0 : i32
      %dma_start3A_549 = arith.constant 0 : i32
      %dma_start3A_550 = tpu.memref_slice %arg7[%dma_start3A_547, %dma_start3A_548, %dma_start3A_549] : memref<16x50x32xf32, #tpu.memory_space<vmem>> -> memref<1x50x32xf32, #tpu.memory_space<vmem>>
      %dma_start3A_551 = tpu.memref_squeeze %dma_start3A_550 : memref<1x50x32xf32, #tpu.memory_space<vmem>> -> memref<50x32xf32, #tpu.memory_space<vmem>>
      %dma_start3A_552 = tpu.memref_slice %arg5[%add3A_546] : memref<32768xi32, #tpu.memory_space<vmem>> -> memref<50xi32, #tpu.memory_space<vmem>>
      %dma_start3A_553 = arith.constant 0 : i32
      %dma_start3A_554 = arith.constant 0 : i32
      %dma_start3A_555 = tpu.memref_slice %arg2[%dma_start3A_553, %dma_start3A_554] : memref<1000000x32xf32, #tpu.memory_space<hbm>> -> memref<1000000x32xf32, #tpu.memory_space<hbm>>
      tpu.enqueue_indirect_dma source(%dma_start3A_555 : memref<1000000x32xf32, #tpu.memory_space<hbm>>) target(%dma_start3A_551 : memref<50x32xf32, #tpu.memory_space<vmem>>) offsets(%dma_start3A_552 : memref<50xi32, #tpu.memory_space<vmem>>) semaphore(%arg9 : memref<!tpu.dma_semaphore, #tpu.memory_space<semaphore_mem>>)
      %mul3A_556 = arith.constant 1024 : i32
      %mul3A_557 = arith.muli %add3A_373, %mul3A_556 : i32
      %add3A_558 = arith.constant 896 : i32
      %add3A_559 = arith.addi %mul3A_557, %add3A_558 : i32
      %dma_start3A_560 = arith.constant 14 : i32
      %dma_start3A_561 = arith.constant 0 : i32
      %dma_start3A_562 = arith.constant 0 : i32
      %dma_start3A_563 = tpu.memref_slice %arg7[%dma_start3A_560, %dma_start3A_561, %dma_start3A_562] : memref<16x50x32xf32, #tpu.memory_space<vmem>> -> memref<1x50x32xf32, #tpu.memory_space<vmem>>
      %dma_start3A_564 = tpu.memref_squeeze %dma_start3A_563 : memref<1x50x32xf32, #tpu.memory_space<vmem>> -> memref<50x32xf32, #tpu.memory_space<vmem>>
      %dma_start3A_565 = tpu.memref_slice %arg5[%add3A_559] : memref<32768xi32, #tpu.memory_space<vmem>> -> memref<50xi32, #tpu.memory_space<vmem>>
      %dma_start3A_566 = arith.constant 0 : i32
      %dma_start3A_567 = arith.constant 0 : i32
      %dma_start3A_568 = tpu.memref_slice %arg2[%dma_start3A_566, %dma_start3A_567] : memref<1000000x32xf32, #tpu.memory_space<hbm>> -> memref<1000000x32xf32, #tpu.memory_space<hbm>>
      tpu.enqueue_indirect_dma source(%dma_start3A_568 : memref<1000000x32xf32, #tpu.memory_space<hbm>>) target(%dma_start3A_564 : memref<50x32xf32, #tpu.memory_space<vmem>>) offsets(%dma_start3A_565 : memref<50xi32, #tpu.memory_space<vmem>>) semaphore(%arg9 : memref<!tpu.dma_semaphore, #tpu.memory_space<semaphore_mem>>)
      %mul3A_569 = arith.constant 1024 : i32
      %mul3A_570 = arith.muli %add3A_373, %mul3A_569 : i32
      %add3A_571 = arith.constant 960 : i32
      %add3A_572 = arith.addi %mul3A_570, %add3A_571 : i32
      %dma_start3A_573 = arith.constant 15 : i32
      %dma_start3A_574 = arith.constant 0 : i32
      %dma_start3A_575 = arith.constant 0 : i32
      %dma_start3A_576 = tpu.memref_slice %arg7[%dma_start3A_573, %dma_start3A_574, %dma_start3A_575] : memref<16x50x32xf32, #tpu.memory_space<vmem>> -> memref<1x50x32xf32, #tpu.memory_space<vmem>>
      %dma_start3A_577 = tpu.memref_squeeze %dma_start3A_576 : memref<1x50x32xf32, #tpu.memory_space<vmem>> -> memref<50x32xf32, #tpu.memory_space<vmem>>
      %dma_start3A_578 = tpu.memref_slice %arg5[%add3A_572] : memref<32768xi32, #tpu.memory_space<vmem>> -> memref<50xi32, #tpu.memory_space<vmem>>
      %dma_start3A_579 = arith.constant 0 : i32
      %dma_start3A_580 = arith.constant 0 : i32
      %dma_start3A_581 = tpu.memref_slice %arg2[%dma_start3A_579, %dma_start3A_580] : memref<1000000x32xf32, #tpu.memory_space<hbm>> -> memref<1000000x32xf32, #tpu.memory_space<hbm>>
      tpu.enqueue_indirect_dma source(%dma_start3A_581 : memref<1000000x32xf32, #tpu.memory_space<hbm>>) target(%dma_start3A_577 : memref<50x32xf32, #tpu.memory_space<vmem>>) offsets(%dma_start3A_578 : memref<50xi32, #tpu.memory_space<vmem>>) semaphore(%arg9 : memref<!tpu.dma_semaphore, #tpu.memory_space<semaphore_mem>>)
      %dma_wait3A_582 = arith.constant 0 : i32
      %dma_wait3A_583 = arith.constant 0 : i32
      %dma_wait3A_584 = arith.constant 0 : i32
      %dma_wait3A_585 = tpu.memref_slice %arg7[%dma_wait3A_582, %dma_wait3A_583, %dma_wait3A_584] : memref<16x50x32xf32, #tpu.memory_space<vmem>> -> memref<1x50x32xf32, #tpu.memory_space<vmem>>
      %dma_wait3A_586 = tpu.memref_squeeze %dma_wait3A_585 : memref<1x50x32xf32, #tpu.memory_space<vmem>> -> memref<50x32xf32, #tpu.memory_space<vmem>>
      %dma_wait3A_587 = tpu.memref_slice %arg5[%add3A_377] : memref<32768xi32, #tpu.memory_space<vmem>> -> memref<50xi32, #tpu.memory_space<vmem>>
      %dma_wait3A_588 = arith.constant 0 : i32
      %dma_wait3A_589 = arith.constant 0 : i32
      %dma_wait3A_590 = tpu.memref_slice %arg2[%dma_wait3A_588, %dma_wait3A_589] : memref<1000000x32xf32, #tpu.memory_space<hbm>> -> memref<1000000x32xf32, #tpu.memory_space<hbm>>
      tpu.wait_indirect_dma semaphore(%arg9 : memref<!tpu.dma_semaphore, #tpu.memory_space<semaphore_mem>>) src(%dma_wait3A_590 : memref<1000000x32xf32, #tpu.memory_space<hbm>>) dst(%dma_wait3A_586 : memref<50x32xf32, #tpu.memory_space<vmem>>)
      %dma_wait3A_591 = arith.constant 1 : i32
      %dma_wait3A_592 = arith.constant 0 : i32
      %dma_wait3A_593 = arith.constant 0 : i32
      %dma_wait3A_594 = tpu.memref_slice %arg7[%dma_wait3A_591, %dma_wait3A_592, %dma_wait3A_593] : memref<16x50x32xf32, #tpu.memory_space<vmem>> -> memref<1x50x32xf32, #tpu.memory_space<vmem>>
      %dma_wait3A_595 = tpu.memref_squeeze %dma_wait3A_594 : memref<1x50x32xf32, #tpu.memory_space<vmem>> -> memref<50x32xf32, #tpu.memory_space<vmem>>
      %dma_wait3A_596 = tpu.memref_slice %arg5[%add3A_390] : memref<32768xi32, #tpu.memory_space<vmem>> -> memref<50xi32, #tpu.memory_space<vmem>>
      %dma_wait3A_597 = arith.constant 0 : i32
      %dma_wait3A_598 = arith.constant 0 : i32
      %dma_wait3A_599 = tpu.memref_slice %arg2[%dma_wait3A_597, %dma_wait3A_598] : memref<1000000x32xf32, #tpu.memory_space<hbm>> -> memref<1000000x32xf32, #tpu.memory_space<hbm>>
      tpu.wait_indirect_dma semaphore(%arg9 : memref<!tpu.dma_semaphore, #tpu.memory_space<semaphore_mem>>) src(%dma_wait3A_599 : memref<1000000x32xf32, #tpu.memory_space<hbm>>) dst(%dma_wait3A_595 : memref<50x32xf32, #tpu.memory_space<vmem>>)
      %dma_wait3A_600 = arith.constant 2 : i32
      %dma_wait3A_601 = arith.constant 0 : i32
      %dma_wait3A_602 = arith.constant 0 : i32
      %dma_wait3A_603 = tpu.memref_slice %arg7[%dma_wait3A_600, %dma_wait3A_601, %dma_wait3A_602] : memref<16x50x32xf32, #tpu.memory_space<vmem>> -> memref<1x50x32xf32, #tpu.memory_space<vmem>>
      %dma_wait3A_604 = tpu.memref_squeeze %dma_wait3A_603 : memref<1x50x32xf32, #tpu.memory_space<vmem>> -> memref<50x32xf32, #tpu.memory_space<vmem>>
      %dma_wait3A_605 = tpu.memref_slice %arg5[%add3A_403] : memref<32768xi32, #tpu.memory_space<vmem>> -> memref<50xi32, #tpu.memory_space<vmem>>
      %dma_wait3A_606 = arith.constant 0 : i32
      %dma_wait3A_607 = arith.constant 0 : i32
      %dma_wait3A_608 = tpu.memref_slice %arg2[%dma_wait3A_606, %dma_wait3A_607] : memref<1000000x32xf32, #tpu.memory_space<hbm>> -> memref<1000000x32xf32, #tpu.memory_space<hbm>>
      tpu.wait_indirect_dma semaphore(%arg9 : memref<!tpu.dma_semaphore, #tpu.memory_space<semaphore_mem>>) src(%dma_wait3A_608 : memref<1000000x32xf32, #tpu.memory_space<hbm>>) dst(%dma_wait3A_604 : memref<50x32xf32, #tpu.memory_space<vmem>>)
      %dma_wait3A_609 = arith.constant 3 : i32
      %dma_wait3A_610 = arith.constant 0 : i32
      %dma_wait3A_611 = arith.constant 0 : i32
      %dma_wait3A_612 = tpu.memref_slice %arg7[%dma_wait3A_609, %dma_wait3A_610, %dma_wait3A_611] : memref<16x50x32xf32, #tpu.memory_space<vmem>> -> memref<1x50x32xf32, #tpu.memory_space<vmem>>
      %dma_wait3A_613 = tpu.memref_squeeze %dma_wait3A_612 : memref<1x50x32xf32, #tpu.memory_space<vmem>> -> memref<50x32xf32, #tpu.memory_space<vmem>>
      %dma_wait3A_614 = tpu.memref_slice %arg5[%add3A_416] : memref<32768xi32, #tpu.memory_space<vmem>> -> memref<50xi32, #tpu.memory_space<vmem>>
      %dma_wait3A_615 = arith.constant 0 : i32
      %dma_wait3A_616 = arith.constant 0 : i32
      %dma_wait3A_617 = tpu.memref_slice %arg2[%dma_wait3A_615, %dma_wait3A_616] : memref<1000000x32xf32, #tpu.memory_space<hbm>> -> memref<1000000x32xf32, #tpu.memory_space<hbm>>
      tpu.wait_indirect_dma semaphore(%arg9 : memref<!tpu.dma_semaphore, #tpu.memory_space<semaphore_mem>>) src(%dma_wait3A_617 : memref<1000000x32xf32, #tpu.memory_space<hbm>>) dst(%dma_wait3A_613 : memref<50x32xf32, #tpu.memory_space<vmem>>)
      %dma_wait3A_618 = arith.constant 4 : i32
      %dma_wait3A_619 = arith.constant 0 : i32
      %dma_wait3A_620 = arith.constant 0 : i32
      %dma_wait3A_621 = tpu.memref_slice %arg7[%dma_wait3A_618, %dma_wait3A_619, %dma_wait3A_620] : memref<16x50x32xf32, #tpu.memory_space<vmem>> -> memref<1x50x32xf32, #tpu.memory_space<vmem>>
      %dma_wait3A_622 = tpu.memref_squeeze %dma_wait3A_621 : memref<1x50x32xf32, #tpu.memory_space<vmem>> -> memref<50x32xf32, #tpu.memory_space<vmem>>
      %dma_wait3A_623 = tpu.memref_slice %arg5[%add3A_429] : memref<32768xi32, #tpu.memory_space<vmem>> -> memref<50xi32, #tpu.memory_space<vmem>>
      %dma_wait3A_624 = arith.constant 0 : i32
      %dma_wait3A_625 = arith.constant 0 : i32
      %dma_wait3A_626 = tpu.memref_slice %arg2[%dma_wait3A_624, %dma_wait3A_625] : memref<1000000x32xf32, #tpu.memory_space<hbm>> -> memref<1000000x32xf32, #tpu.memory_space<hbm>>
      tpu.wait_indirect_dma semaphore(%arg9 : memref<!tpu.dma_semaphore, #tpu.memory_space<semaphore_mem>>) src(%dma_wait3A_626 : memref<1000000x32xf32, #tpu.memory_space<hbm>>) dst(%dma_wait3A_622 : memref<50x32xf32, #tpu.memory_space<vmem>>)
      %dma_wait3A_627 = arith.constant 5 : i32
      %dma_wait3A_628 = arith.constant 0 : i32
      %dma_wait3A_629 = arith.constant 0 : i32
      %dma_wait3A_630 = tpu.memref_slice %arg7[%dma_wait3A_627, %dma_wait3A_628, %dma_wait3A_629] : memref<16x50x32xf32, #tpu.memory_space<vmem>> -> memref<1x50x32xf32, #tpu.memory_space<vmem>>
      %dma_wait3A_631 = tpu.memref_squeeze %dma_wait3A_630 : memref<1x50x32xf32, #tpu.memory_space<vmem>> -> memref<50x32xf32, #tpu.memory_space<vmem>>
      %dma_wait3A_632 = tpu.memref_slice %arg5[%add3A_442] : memref<32768xi32, #tpu.memory_space<vmem>> -> memref<50xi32, #tpu.memory_space<vmem>>
      %dma_wait3A_633 = arith.constant 0 : i32
      %dma_wait3A_634 = arith.constant 0 : i32
      %dma_wait3A_635 = tpu.memref_slice %arg2[%dma_wait3A_633, %dma_wait3A_634] : memref<1000000x32xf32, #tpu.memory_space<hbm>> -> memref<1000000x32xf32, #tpu.memory_space<hbm>>
      tpu.wait_indirect_dma semaphore(%arg9 : memref<!tpu.dma_semaphore, #tpu.memory_space<semaphore_mem>>) src(%dma_wait3A_635 : memref<1000000x32xf32, #tpu.memory_space<hbm>>) dst(%dma_wait3A_631 : memref<50x32xf32, #tpu.memory_space<vmem>>)
      %dma_wait3A_636 = arith.constant 6 : i32
      %dma_wait3A_637 = arith.constant 0 : i32
      %dma_wait3A_638 = arith.constant 0 : i32
      %dma_wait3A_639 = tpu.memref_slice %arg7[%dma_wait3A_636, %dma_wait3A_637, %dma_wait3A_638] : memref<16x50x32xf32, #tpu.memory_space<vmem>> -> memref<1x50x32xf32, #tpu.memory_space<vmem>>
      %dma_wait3A_640 = tpu.memref_squeeze %dma_wait3A_639 : memref<1x50x32xf32, #tpu.memory_space<vmem>> -> memref<50x32xf32, #tpu.memory_space<vmem>>
      %dma_wait3A_641 = tpu.memref_slice %arg5[%add3A_455] : memref<32768xi32, #tpu.memory_space<vmem>> -> memref<50xi32, #tpu.memory_space<vmem>>
      %dma_wait3A_642 = arith.constant 0 : i32
      %dma_wait3A_643 = arith.constant 0 : i32
      %dma_wait3A_644 = tpu.memref_slice %arg2[%dma_wait3A_642, %dma_wait3A_643] : memref<1000000x32xf32, #tpu.memory_space<hbm>> -> memref<1000000x32xf32, #tpu.memory_space<hbm>>
      tpu.wait_indirect_dma semaphore(%arg9 : memref<!tpu.dma_semaphore, #tpu.memory_space<semaphore_mem>>) src(%dma_wait3A_644 : memref<1000000x32xf32, #tpu.memory_space<hbm>>) dst(%dma_wait3A_640 : memref<50x32xf32, #tpu.memory_space<vmem>>)
      %dma_wait3A_645 = arith.constant 7 : i32
      %dma_wait3A_646 = arith.constant 0 : i32
      %dma_wait3A_647 = arith.constant 0 : i32
      %dma_wait3A_648 = tpu.memref_slice %arg7[%dma_wait3A_645, %dma_wait3A_646, %dma_wait3A_647] : memref<16x50x32xf32, #tpu.memory_space<vmem>> -> memref<1x50x32xf32, #tpu.memory_space<vmem>>
      %dma_wait3A_649 = tpu.memref_squeeze %dma_wait3A_648 : memref<1x50x32xf32, #tpu.memory_space<vmem>> -> memref<50x32xf32, #tpu.memory_space<vmem>>
      %dma_wait3A_650 = tpu.memref_slice %arg5[%add3A_468] : memref<32768xi32, #tpu.memory_space<vmem>> -> memref<50xi32, #tpu.memory_space<vmem>>
      %dma_wait3A_651 = arith.constant 0 : i32
      %dma_wait3A_652 = arith.constant 0 : i32
      %dma_wait3A_653 = tpu.memref_slice %arg2[%dma_wait3A_651, %dma_wait3A_652] : memref<1000000x32xf32, #tpu.memory_space<hbm>> -> memref<1000000x32xf32, #tpu.memory_space<hbm>>
      tpu.wait_indirect_dma semaphore(%arg9 : memref<!tpu.dma_semaphore, #tpu.memory_space<semaphore_mem>>) src(%dma_wait3A_653 : memref<1000000x32xf32, #tpu.memory_space<hbm>>) dst(%dma_wait3A_649 : memref<50x32xf32, #tpu.memory_space<vmem>>)
      %dma_wait3A_654 = arith.constant 8 : i32
      %dma_wait3A_655 = arith.constant 0 : i32
      %dma_wait3A_656 = arith.constant 0 : i32
      %dma_wait3A_657 = tpu.memref_slice %arg7[%dma_wait3A_654, %dma_wait3A_655, %dma_wait3A_656] : memref<16x50x32xf32, #tpu.memory_space<vmem>> -> memref<1x50x32xf32, #tpu.memory_space<vmem>>
      %dma_wait3A_658 = tpu.memref_squeeze %dma_wait3A_657 : memref<1x50x32xf32, #tpu.memory_space<vmem>> -> memref<50x32xf32, #tpu.memory_space<vmem>>
      %dma_wait3A_659 = tpu.memref_slice %arg5[%add3A_481] : memref<32768xi32, #tpu.memory_space<vmem>> -> memref<50xi32, #tpu.memory_space<vmem>>
      %dma_wait3A_660 = arith.constant 0 : i32
      %dma_wait3A_661 = arith.constant 0 : i32
      %dma_wait3A_662 = tpu.memref_slice %arg2[%dma_wait3A_660, %dma_wait3A_661] : memref<1000000x32xf32, #tpu.memory_space<hbm>> -> memref<1000000x32xf32, #tpu.memory_space<hbm>>
      tpu.wait_indirect_dma semaphore(%arg9 : memref<!tpu.dma_semaphore, #tpu.memory_space<semaphore_mem>>) src(%dma_wait3A_662 : memref<1000000x32xf32, #tpu.memory_space<hbm>>) dst(%dma_wait3A_658 : memref<50x32xf32, #tpu.memory_space<vmem>>)
      %dma_wait3A_663 = arith.constant 9 : i32
      %dma_wait3A_664 = arith.constant 0 : i32
      %dma_wait3A_665 = arith.constant 0 : i32
      %dma_wait3A_666 = tpu.memref_slice %arg7[%dma_wait3A_663, %dma_wait3A_664, %dma_wait3A_665] : memref<16x50x32xf32, #tpu.memory_space<vmem>> -> memref<1x50x32xf32, #tpu.memory_space<vmem>>
      %dma_wait3A_667 = tpu.memref_squeeze %dma_wait3A_666 : memref<1x50x32xf32, #tpu.memory_space<vmem>> -> memref<50x32xf32, #tpu.memory_space<vmem>>
      %dma_wait3A_668 = tpu.memref_slice %arg5[%add3A_494] : memref<32768xi32, #tpu.memory_space<vmem>> -> memref<50xi32, #tpu.memory_space<vmem>>
      %dma_wait3A_669 = arith.constant 0 : i32
      %dma_wait3A_670 = arith.constant 0 : i32
      %dma_wait3A_671 = tpu.memref_slice %arg2[%dma_wait3A_669, %dma_wait3A_670] : memref<1000000x32xf32, #tpu.memory_space<hbm>> -> memref<1000000x32xf32, #tpu.memory_space<hbm>>
      tpu.wait_indirect_dma semaphore(%arg9 : memref<!tpu.dma_semaphore, #tpu.memory_space<semaphore_mem>>) src(%dma_wait3A_671 : memref<1000000x32xf32, #tpu.memory_space<hbm>>) dst(%dma_wait3A_667 : memref<50x32xf32, #tpu.memory_space<vmem>>)
      %dma_wait3A_672 = arith.constant 10 : i32
      %dma_wait3A_673 = arith.constant 0 : i32
      %dma_wait3A_674 = arith.constant 0 : i32
      %dma_wait3A_675 = tpu.memref_slice %arg7[%dma_wait3A_672, %dma_wait3A_673, %dma_wait3A_674] : memref<16x50x32xf32, #tpu.memory_space<vmem>> -> memref<1x50x32xf32, #tpu.memory_space<vmem>>
      %dma_wait3A_676 = tpu.memref_squeeze %dma_wait3A_675 : memref<1x50x32xf32, #tpu.memory_space<vmem>> -> memref<50x32xf32, #tpu.memory_space<vmem>>
      %dma_wait3A_677 = tpu.memref_slice %arg5[%add3A_507] : memref<32768xi32, #tpu.memory_space<vmem>> -> memref<50xi32, #tpu.memory_space<vmem>>
      %dma_wait3A_678 = arith.constant 0 : i32
      %dma_wait3A_679 = arith.constant 0 : i32
      %dma_wait3A_680 = tpu.memref_slice %arg2[%dma_wait3A_678, %dma_wait3A_679] : memref<1000000x32xf32, #tpu.memory_space<hbm>> -> memref<1000000x32xf32, #tpu.memory_space<hbm>>
      tpu.wait_indirect_dma semaphore(%arg9 : memref<!tpu.dma_semaphore, #tpu.memory_space<semaphore_mem>>) src(%dma_wait3A_680 : memref<1000000x32xf32, #tpu.memory_space<hbm>>) dst(%dma_wait3A_676 : memref<50x32xf32, #tpu.memory_space<vmem>>)
      %dma_wait3A_681 = arith.constant 11 : i32
      %dma_wait3A_682 = arith.constant 0 : i32
      %dma_wait3A_683 = arith.constant 0 : i32
      %dma_wait3A_684 = tpu.memref_slice %arg7[%dma_wait3A_681, %dma_wait3A_682, %dma_wait3A_683] : memref<16x50x32xf32, #tpu.memory_space<vmem>> -> memref<1x50x32xf32, #tpu.memory_space<vmem>>
      %dma_wait3A_685 = tpu.memref_squeeze %dma_wait3A_684 : memref<1x50x32xf32, #tpu.memory_space<vmem>> -> memref<50x32xf32, #tpu.memory_space<vmem>>
      %dma_wait3A_686 = tpu.memref_slice %arg5[%add3A_520] : memref<32768xi32, #tpu.memory_space<vmem>> -> memref<50xi32, #tpu.memory_space<vmem>>
      %dma_wait3A_687 = arith.constant 0 : i32
      %dma_wait3A_688 = arith.constant 0 : i32
      %dma_wait3A_689 = tpu.memref_slice %arg2[%dma_wait3A_687, %dma_wait3A_688] : memref<1000000x32xf32, #tpu.memory_space<hbm>> -> memref<1000000x32xf32, #tpu.memory_space<hbm>>
      tpu.wait_indirect_dma semaphore(%arg9 : memref<!tpu.dma_semaphore, #tpu.memory_space<semaphore_mem>>) src(%dma_wait3A_689 : memref<1000000x32xf32, #tpu.memory_space<hbm>>) dst(%dma_wait3A_685 : memref<50x32xf32, #tpu.memory_space<vmem>>)
      %dma_wait3A_690 = arith.constant 12 : i32
      %dma_wait3A_691 = arith.constant 0 : i32
      %dma_wait3A_692 = arith.constant 0 : i32
      %dma_wait3A_693 = tpu.memref_slice %arg7[%dma_wait3A_690, %dma_wait3A_691, %dma_wait3A_692] : memref<16x50x32xf32, #tpu.memory_space<vmem>> -> memref<1x50x32xf32, #tpu.memory_space<vmem>>
      %dma_wait3A_694 = tpu.memref_squeeze %dma_wait3A_693 : memref<1x50x32xf32, #tpu.memory_space<vmem>> -> memref<50x32xf32, #tpu.memory_space<vmem>>
      %dma_wait3A_695 = tpu.memref_slice %arg5[%add3A_533] : memref<32768xi32, #tpu.memory_space<vmem>> -> memref<50xi32, #tpu.memory_space<vmem>>
      %dma_wait3A_696 = arith.constant 0 : i32
      %dma_wait3A_697 = arith.constant 0 : i32
      %dma_wait3A_698 = tpu.memref_slice %arg2[%dma_wait3A_696, %dma_wait3A_697] : memref<1000000x32xf32, #tpu.memory_space<hbm>> -> memref<1000000x32xf32, #tpu.memory_space<hbm>>
      tpu.wait_indirect_dma semaphore(%arg9 : memref<!tpu.dma_semaphore, #tpu.memory_space<semaphore_mem>>) src(%dma_wait3A_698 : memref<1000000x32xf32, #tpu.memory_space<hbm>>) dst(%dma_wait3A_694 : memref<50x32xf32, #tpu.memory_space<vmem>>)
      %dma_wait3A_699 = arith.constant 13 : i32
      %dma_wait3A_700 = arith.constant 0 : i32
      %dma_wait3A_701 = arith.constant 0 : i32
      %dma_wait3A_702 = tpu.memref_slice %arg7[%dma_wait3A_699, %dma_wait3A_700, %dma_wait3A_701] : memref<16x50x32xf32, #tpu.memory_space<vmem>> -> memref<1x50x32xf32, #tpu.memory_space<vmem>>
      %dma_wait3A_703 = tpu.memref_squeeze %dma_wait3A_702 : memref<1x50x32xf32, #tpu.memory_space<vmem>> -> memref<50x32xf32, #tpu.memory_space<vmem>>
      %dma_wait3A_704 = tpu.memref_slice %arg5[%add3A_546] : memref<32768xi32, #tpu.memory_space<vmem>> -> memref<50xi32, #tpu.memory_space<vmem>>
      %dma_wait3A_705 = arith.constant 0 : i32
      %dma_wait3A_706 = arith.constant 0 : i32
      %dma_wait3A_707 = tpu.memref_slice %arg2[%dma_wait3A_705, %dma_wait3A_706] : memref<1000000x32xf32, #tpu.memory_space<hbm>> -> memref<1000000x32xf32, #tpu.memory_space<hbm>>
      tpu.wait_indirect_dma semaphore(%arg9 : memref<!tpu.dma_semaphore, #tpu.memory_space<semaphore_mem>>) src(%dma_wait3A_707 : memref<1000000x32xf32, #tpu.memory_space<hbm>>) dst(%dma_wait3A_703 : memref<50x32xf32, #tpu.memory_space<vmem>>)
      %dma_wait3A_708 = arith.constant 14 : i32
      %dma_wait3A_709 = arith.constant 0 : i32
      %dma_wait3A_710 = arith.constant 0 : i32
      %dma_wait3A_711 = tpu.memref_slice %arg7[%dma_wait3A_708, %dma_wait3A_709, %dma_wait3A_710] : memref<16x50x32xf32, #tpu.memory_space<vmem>> -> memref<1x50x32xf32, #tpu.memory_space<vmem>>
      %dma_wait3A_712 = tpu.memref_squeeze %dma_wait3A_711 : memref<1x50x32xf32, #tpu.memory_space<vmem>> -> memref<50x32xf32, #tpu.memory_space<vmem>>
      %dma_wait3A_713 = tpu.memref_slice %arg5[%add3A_559] : memref<32768xi32, #tpu.memory_space<vmem>> -> memref<50xi32, #tpu.memory_space<vmem>>
      %dma_wait3A_714 = arith.constant 0 : i32
      %dma_wait3A_715 = arith.constant 0 : i32
      %dma_wait3A_716 = tpu.memref_slice %arg2[%dma_wait3A_714, %dma_wait3A_715] : memref<1000000x32xf32, #tpu.memory_space<hbm>> -> memref<1000000x32xf32, #tpu.memory_space<hbm>>
      tpu.wait_indirect_dma semaphore(%arg9 : memref<!tpu.dma_semaphore, #tpu.memory_space<semaphore_mem>>) src(%dma_wait3A_716 : memref<1000000x32xf32, #tpu.memory_space<hbm>>) dst(%dma_wait3A_712 : memref<50x32xf32, #tpu.memory_space<vmem>>)
      %dma_wait3A_717 = arith.constant 15 : i32
      %dma_wait3A_718 = arith.constant 0 : i32
      %dma_wait3A_719 = arith.constant 0 : i32
      %dma_wait3A_720 = tpu.memref_slice %arg7[%dma_wait3A_717, %dma_wait3A_718, %dma_wait3A_719] : memref<16x50x32xf32, #tpu.memory_space<vmem>> -> memref<1x50x32xf32, #tpu.memory_space<vmem>>
      %dma_wait3A_721 = tpu.memref_squeeze %dma_wait3A_720 : memref<1x50x32xf32, #tpu.memory_space<vmem>> -> memref<50x32xf32, #tpu.memory_space<vmem>>
      %dma_wait3A_722 = tpu.memref_slice %arg5[%add3A_572] : memref<32768xi32, #tpu.memory_space<vmem>> -> memref<50xi32, #tpu.memory_space<vmem>>
      %dma_wait3A_723 = arith.constant 0 : i32
      %dma_wait3A_724 = arith.constant 0 : i32
      %dma_wait3A_725 = tpu.memref_slice %arg2[%dma_wait3A_723, %dma_wait3A_724] : memref<1000000x32xf32, #tpu.memory_space<hbm>> -> memref<1000000x32xf32, #tpu.memory_space<hbm>>
      tpu.wait_indirect_dma semaphore(%arg9 : memref<!tpu.dma_semaphore, #tpu.memory_space<semaphore_mem>>) src(%dma_wait3A_725 : memref<1000000x32xf32, #tpu.memory_space<hbm>>) dst(%dma_wait3A_721 : memref<50x32xf32, #tpu.memory_space<vmem>>)
      %dma_wait3A_726 = arith.constant 0 : i32
      %dma_wait3A_727 = arith.constant 0 : i32
      %dma_wait3A_728 = tpu.memref_slice %arg4[%add3A_365, %dma_wait3A_726, %dma_wait3A_727] : memref<16384x50x32xf32, #tpu.memory_space<hbm>> -> memref<16x50x32xf32, #tpu.memory_space<hbm>>
      %dma_wait3A_729 = arith.constant 0 : i32
      %dma_wait3A_730 = arith.constant 0 : i32
      %dma_wait3A_731 = tpu.memref_slice %arg4[%add3A_365, %dma_wait3A_729, %dma_wait3A_730] : memref<16384x50x32xf32, #tpu.memory_space<hbm>> -> memref<16x50x32xf32, #tpu.memory_space<hbm>>
      tpu.wait_dma2 semaphore(%arg10 : memref<!tpu.dma_semaphore, #tpu.memory_space<semaphore_mem>>) src(%arg6 : memref<16x50x32xf32, #tpu.memory_space<vmem>>) dst(%dma_wait3A_731 : memref<16x50x32xf32, #tpu.memory_space<hbm>>)
      %add3A_732 = arith.constant 1 : i32
      %add3A_733 = arith.addi %mul3A_12, %add3A_732 : i32
      %mul3A_734 = arith.constant 16 : i32
      %mul3A_735 = arith.muli %add3A_733, %mul3A_734 : i32
      %add3A_736 = arith.addi %mul3A_4, %mul3A_735 : i32
      %dma_start3A_737 = arith.constant 0 : i32
      %dma_start3A_738 = arith.constant 0 : i32
      %dma_start3A_739 = tpu.memref_slice %arg4[%add3A_736, %dma_start3A_737, %dma_start3A_738] : memref<16384x50x32xf32, #tpu.memory_space<hbm>> -> memref<16x50x32xf32, #tpu.memory_space<hbm>>
      %dma_start3A_740 = arith.constant 0 : i32
      %dma_start3A_741 = arith.constant 0 : i32
      %dma_start3A_742 = tpu.memref_slice %arg4[%add3A_736, %dma_start3A_740, %dma_start3A_741] : memref<16384x50x32xf32, #tpu.memory_space<hbm>> -> memref<16x50x32xf32, #tpu.memory_space<hbm>>
      tpu.enqueue_dma source(%arg7 : memref<16x50x32xf32, #tpu.memory_space<vmem>>) target(%dma_start3A_742 : memref<16x50x32xf32, #tpu.memory_space<hbm>>) target_semaphore(%arg11 : memref<!tpu.dma_semaphore, #tpu.memory_space<semaphore_mem>>)
      %dma_wait3A_743 = arith.constant 0 : i32
      %dma_wait3A_744 = arith.constant 0 : i32
      %dma_wait3A_745 = tpu.memref_slice %arg4[%add3A_736, %dma_wait3A_743, %dma_wait3A_744] : memref<16384x50x32xf32, #tpu.memory_space<hbm>> -> memref<16x50x32xf32, #tpu.memory_space<hbm>>
      %dma_wait3A_746 = arith.constant 0 : i32
      %dma_wait3A_747 = arith.constant 0 : i32
      %dma_wait3A_748 = tpu.memref_slice %arg4[%add3A_736, %dma_wait3A_746, %dma_wait3A_747] : memref<16384x50x32xf32, #tpu.memory_space<hbm>> -> memref<16x50x32xf32, #tpu.memory_space<hbm>>
      tpu.wait_dma2 semaphore(%arg11 : memref<!tpu.dma_semaphore, #tpu.memory_space<semaphore_mem>>) src(%arg7 : memref<16x50x32xf32, #tpu.memory_space<vmem>>) dst(%dma_wait3A_748 : memref<16x50x32xf32, #tpu.memory_space<hbm>>)
    }
    %scan3A_9 = arith.constant 16 : i32
    return
  }
}

</mosaic_0001>

<sc_bundles>
// kernel: kernel.3.cloned.1.call-start
scs
__scs_entry_jumppad:
0x0: {  	(pc) =	sbr.rel $0x88, $3  }
0x1: {  	(tag) =	ssettag $0x0;
	lr =	simm.s32 $0x1  }
0x2: {  	[smem:$0x3F9F] =	sst lr;
	_ =	strace $0xD0000000  }
0x3: {  	_ = 	snop  }
0x4: {  	_ = 	snop  }
0x5: {  	_ = 	snop  }
0x6: {  	_ = 	snop  }
0x7: {  	_ = 	snop  }
__scs_overlays_trampoline_lowered:
0x8: {  	[smem:$0x3FAE] =	sst s0  }
0x9: {  	[smem:$0x3FAF] =	sst s1  }
0xa: {  	[smem:$0x3FB0] =	sst s2  }
0xb: {  	[smem:$0x3FB1] =	sst s3  }
0xc: {  	[smem:$0x3FB2] =	sst s4  }
0xd: {  	[smem:$0x3FB3] =	sst s5  }
0xe: {  	[smem:$0x3FB4] =	sst s6  }
0xf: {  	[smem:$0x3FB5] =	sst s7  }
0x10: {  	[smem:$0x3FB6] =	sst s8  }
0x11: {  	[smem:$0x3FB7] =	sst s9;
	s0 =	simm.s32 @!p0 $0x0  }
0x12: {  	s1 =	sld [smem:$0x3F9D];
	s0 =	simm.s32 @p0 $0x1  }
0x13: {  	[smem:$0x3FB8] =	sst s0;
	s0 =	simm.s32 @!p1 $0x0  }
0x14: {  	s2 =	sld [smem:$0x3F9C];
	s0 =	simm.s32 @p1 $0x1  }
0x15: {  	[smem:$0x3FB9] =	sst s0;
	s0 =	simm.s32 @!p2 $0x0  }
0x16: {  	s3 =	sld [smem:$0x3FDB];
	s0 =	simm.s32 @p2 $0x1  }
0x17: {  	s4 =	simm.s32 $0x1BF5;
	[smem:$0x3FBB] =	sst s0  }
0x18: {  	s0 =	sld [smem:$0x3F9E];
	_ =	swait.ge [sflag:s4], $0x0  }
0x19: {  	s7 =	sld [smem:$0x3F9F]  }
0x1a: {  	s8 =	sadd.s32 $0xFFFFE003, lr  }
0x1b: {  	s9 =	sadd.s32 $0xFFFFFEF7, lr;
	s5 =	simm.s32 $0xFFFFFFFF;
	p2 =	slt.u32 s8, $0xFFFFF086  }
0x1c: {  	p1 =	slt.u32 s9, $0xF7A;
	s5 =	simm.s32 @!p2 $0x0  }
0x1d: {  	s5 =	simm.s32 @p1 $0x1;
	p0 =	seq.s32 s7, s2  }
0x1e: {  	s7 =	smul.u32 @!p0 $0xF7A, s2;
	p2 =	seq.s32 @!p0 s5, $0x0  }
0x1f: {  	s9 =	smul.u32 $0xF7A, s1;
	s8 =	simm.s32 @!p0 $0x1BF5;
	p2 =	por !p2, p0  }
0x20: {  	[sflag:s8] =	ssyncset.s32 @!p0 $0xFFFFF086;
	s6 =	sadd.s32 @!p0 s3, s7;
	s7 =	simm.s32 @!p0 $0x108  }
0x21: {  	s3 =	sadd.s32 s3, s9;
	s6 =	sadd.s32 @!p0 $0x88, s6;
	s7 =	simm.s32 @p2 $0x1082  }
0x22: {  	[simem:s7], [sflag:s8] =	dma.local @!p0 [hbm:s6], $0xF7A  }
0x23: {  	s9 =	sor.u32 $0xD0000000, s2;
	s6 =	simm.s32 $0x108;
	_ =	swait.ge @!p0 [sflag:s8], $0x0  }
0x24: {  	s3 =	sadd.s32 $0x88, s3;
	s6 =	simm.s32 @!p1 $0x1082;
	[sflag:s4] =	ssyncset.s32 $0xFFFFF086  }
0x25: {  	[simem:s6], [sflag:s4] =	dma.local [hbm:s3], $0xF7A  }
0x26: {  	[smem:$0x3F9F] =	sst s1;
	(tag) =	ssettag s2;
	_ =	strace s9  }
0x27: {  	s1 =	sld [smem:$0x3FAF]  }
0x28: {  	s2 =	sld [smem:$0x3FB0]  }
0x29: {  	s4 =	sld [smem:$0x3FB2]  }
0x2a: {  	p0 =	seq.s32 s5, $0x0;
	s5 =	sld [smem:$0x3FB3]  }
0x2b: {  	s6 =	sld [smem:$0x3FB4]  }
0x2c: {  	s7 =	sld [smem:$0x3FB5]  }
0x2d: {  	s3 =	simm.s32 $0x108;
	s8 =	sld [smem:$0x3FB6]  }
0x2e: {  	s3 =	simm.s32 @!p0 $0x1082;
	s9 =	sld [smem:$0x3FB7]  }
0x2f: {  	lr =	sadd.s32 s0, s3;
	s0 =	sld [smem:$0x3FAE]  }
0x30: {  	s3 =	sld [smem:$0x3FB1]  }
0x31: {  	[smem:$0x3FBA] =	sst s10  }
0x32: {  	s10 =	sld [smem:$0x3FB8];
	_ =	sdelay $0x3  }
0x33: {  	p0 =	seq.s32 s10, $0x1;
	s10 =	sld [smem:$0x3FBA];
	_ =	sdelay $0x3  }
0x34: {  	[smem:$0x3FBA] =	sst s10  }
0x35: {  	s10 =	sld [smem:$0x3FB9];
	_ =	sdelay $0x3  }
0x36: {  	p1 =	seq.s32 s10, $0x1;
	s10 =	sld [smem:$0x3FBA];
	_ =	sdelay $0x3  }
0x37: {  	[smem:$0x3FBA] =	sst s10  }
0x38: {  	s10 =	sld [smem:$0x3FBB]  }
0x39: {  	_ = 	snop;
	(pc) =	sbr.ind lr, $3  }
0x3a: {  	_ = 	snop  }
0x3b: {  	_ = 	snop  }
0x3c: {  	p2 =	seq.s32 s10, $0x1;
	s10 =	sld [smem:$0x3FBA]  }
0x3d: {  	_ =	shalt  }
0x3e: {  	_ =	shalt  }
0x3f: {  	_ =	shalt  }
0x40: {  	_ =	shalt  }
0x41: {  	_ =	shalt  }
0x42: {  	_ =	shalt  }
0x43: {  	_ =	shalt  }
0x44: {  	_ =	shalt  }
0x45: {  	_ =	shalt  }
0x46: {  	_ =	shalt  }
0x47: {  	_ =	shalt  }
0x48: {  	_ =	shalt  }
0x49: {  	_ =	shalt  }
0x4a: {  	_ =	shalt  }
0x4b: {  	_ =	shalt  }
0x4c: {  	_ =	shalt  }
0x4d: {  	_ =	shalt  }
0x4e: {  	_ =	shalt  }
0x4f: {  	_ =	shalt  }
0x50: {  	_ =	shalt  }
0x51: {  	_ =	shalt  }
0x52: {  	_ =	shalt  }
0x53: {  	_ =	shalt  }
0x54: {  	_ =	shalt  }
0x55: {  	_ =	shalt  }
0x56: {  	_ =	shalt  }
0x57: {  	_ =	shalt  }
0x58: {  	_ =	shalt  }
0x59: {  	_ =	shalt  }
0x5a: {  	_ =	shalt  }
0x5b: {  	_ =	shalt  }
0x5c: {  	_ =	shalt  }
0x5d: {  	_ =	shalt  }
0x5e: {  	_ =	shalt  }
0x5f: {  	_ =	shalt  }
0x60: {  	_ =	shalt  }
0x61: {  	_ =	shalt  }
0x62: {  	_ =	shalt  }
0x63: {  	_ =	shalt  }
0x64: {  	_ =	shalt  }
0x65: {  	_ =	shalt  }
0x66: {  	_ =	shalt  }
0x67: {  	_ =	shalt  }
0x68: {  	_ =	shalt  }
0x69: {  	_ =	shalt  }
0x6a: {  	_ =	shalt  }
0x6b: {  	_ =	shalt  }
0x6c: {  	_ =	shalt  }
0x6d: {  	_ =	shalt  }
0x6e: {  	_ =	shalt  }
0x6f: {  	_ =	shalt  }
0x70: {  	_ =	shalt  }
0x71: {  	_ =	shalt  }
0x72: {  	_ =	shalt  }
0x73: {  	_ =	shalt  }
0x74: {  	_ =	shalt  }
0x75: {  	_ =	shalt  }
0x76: {  	_ =	shalt  }
0x77: {  	_ =	shalt  }
0x78: {  	_ =	shalt  }
0x79: {  	_ =	shalt  }
0x7a: {  	_ =	shalt  }
0x7b: {  	_ =	shalt  }
0x7c: {  	_ =	shalt  }
0x7d: {  	_ =	shalt  }
0x7e: {  	_ =	shalt  }
0x7f: {  	_ =	shalt  }
0x80: {  	_ =	shalt  }
0x81: {  	_ =	shalt  }
0x82: {  	_ =	shalt  }
0x83: {  	_ =	shalt  }
0x84: {  	_ =	shalt  }
0x85: {  	_ =	shalt  }
0x86: {  	_ =	shalt  }
0x87: {  	_ =	shalt  }
.Lfunc_end0:
.L_simem_size_0:
called_computation.1_lowered:
.L_overlay_start_0:
0x88: {  	s2 =	sld [smem:$0x3FD9]  }
0x89: {  	s3 =	sld [smem:$0x3FFE];
	_ =	sdelay $0x1  }
0x8a: {  	s1 =	srdreg.scid  }
0x8b: {  	s0 =	sand.u32 $0x1, s1  }
0x8c: {  	s17 =	sshll.u32 s0, $0xA;
	s2 =	sadd.s32 s3, s2  }
0x8d: {  	s2 =	sadd.s32 s2, s17  }
0x8e: {  	[smem:$0x3FC6] =	sst s2  }
0x8f: {  	_ = 	snop  }
0x90: {  	s2 =	sld [smem:$0x3FD0];
	(tm) =	ssettm $0x1  }
0x91: {  	s18 =	sld [smem:$0x3FFB];
	_ =	sdelay $0x3  }
0x92: {  	_ =	strace s18  }
0x93: {  	s3 =	sld [smem:$0x3FFC];
	_ =	sdelay $0x3  }
0x94: {  	_ =	strace s3  }
0x95: {  	s3 =	sld [smem:$0x3FFD];
	_ =	sdelay $0x3  }
0x96: {  	_ =	strace s3  }
0x97: {  	_ =	strace $0x8FFFFFFF  }
0x98: {  	s19 =	sld [smem:$0x3FDB];
	_ =	sdelay $0x1  }
0x99: {  	s4 =	simm.s32 $_scs_section_size  }
0x9a: {  	s5 =	simm.s32 $_size__tile_overlayer_lowered;
	s6 =	simm.s32 $_tile_overlayer_lowered  }
0x9b: {  	s22 =	simm.s32 $0x1BFF;
	s21 =	sshll.u32 s6, $0x1;
	s3 =	sadd.s32 s4, s19  }
0x9c: {  	s7 =	simm.s32 $0x0;
	s20 =	sshll.u32 s5, $0x1;
	s5 =	sadd.s32 s21, s3  }
0x9d: {  	[timem:s7], [sflag:s22] =	dma.local [hbm:s5], s20  }
0x9e: {  	_ =	swait.ge [sflag:s22], s20  }
0x9f: {  	s4 =	ssub.s32 $0x0, s20;
	[sflag:s22] =	ssyncset.done $0x0  }
0xa0: {  	[sflag:s22] =	ssyncadd.s32 s4;
	_ =	sdelay $0x1  }
0xa1: {  	s23 =	simm.s32 $0x1B8B  }
0xa2: {  	_ =	swait.ge [sflag:s23], $0x1  }
0xa3: {  	[sflag:s23] =	ssyncset.done $0x0  }
0xa4: {  	s25 =	simm.s32 $0x1B8E;
	s24 =	sld [smem:$0x3FFE];
	[sflag:s23] =	ssyncadd.s32 $0xFFFFFFFF  }
0xa5: {  	s26 =	simm.s32 $execute0_lowered;
	[smem:$0x3FD2] =	sst s25  }
0xa6: {  	s5 =	sshll.u32 s26, $0x1;
	_ =	strace $0x80000046;
	[dreg:$0x1] =	wrdreg $0xFFFFFFFF  }
0xa7: {  	s28 =	simm.s32 $_size_execute0_lowered;
	s3 =	sadd.s32 s3, s5;
	[dreg:$0x0] =	wrdreg $0x0  }
0xa8: {  	s5 =	sshll.u32 s28, $0x1;
	[dreg:$0x2] =	wrdreg s3  }
0xa9: {  	[dreg:$0x3] =	wrdreg s5  }
0xaa: {  	[dreg:$0x4] =	wrdreg $0xC0  }
0xab: {  	_ =	task [dreg:s7], $0x5FFFF  }
0xac: {  	[dreg:$0x1] =	wrdreg $0xFFFFFFFF  }
0xad: {  	[dreg:$0x0] =	wrdreg $0x60  }
0xae: {  	[dreg:$0x2] =	wrdreg s24  }
0xaf: {  	[dreg:$0x3] =	wrdreg s2  }
0xb0: {  	[dreg:$0x4] =	wrdreg $0x9  }
0xb1: {  	_ =	task.clear_ibuf [dreg:s7], $0x5FFFF;
	_ =	strace $0x90000046  }
0xb2: {  	s29 =	simm.s32 $0x9;
	_ =	strace $0x80000048  }
0xb3: {  	_ =	swait.ge [sflag:s29], $0x1  }
0xb4: {  	[sflag:s29] =	ssyncadd.s32 $0xFFFFFFFF  }
0xb5: {  	_ =	strace $0x90000048  }
0xb6: {  	_ =	sfence  }
0xb7: {  	s30 =	sld [smem:$0x0];
	_ =	sdelay $0x2  }
0xb8: {  	s31 =	sshll.u32 s1, $0xD;
	s1 =	sshrl.u32 s1, $0x2  }
0xb9: {  	s3 =	sand.u32 $0x4000, s31;
	s1 =	sadd.s32 s1, s30  }
0xba: {  	s0 =	sor.u32 s3, s0;
	s1 =	sshll.u32 s1, $0x11  }
0xbb: {  	s0 =	sor.u32 s1, s0  }
0xbc: {  	s0 =	sadd.s32 $0x8F2B, s0  }
0xbd: {  	[sflag:s0] =	ssyncadd.remote.s32 $0x1  }
0xbe: {  	_ =	sfence.sel $0xFFFF  }
0xbf: {  	[dreg:$0x0] =	wrdreg $0xFFFFFFFF;
	(pc) =	sbr.abs _section_cstart, $3  }
0xc0: {  	[dreg:$0x1] =	wrdreg $0xFFFFFFFF  }
0xc1: {  	_ =	task.clear_ibuf [dreg:s7], $0x2FFFF;
	_ =	strace $0x9FFFFFFF  }
0xc2: {  	(tm) =	ssettm $0x7FFFFFFF  }
0xc3: {  	_ =	shalt  }
tec
execute0_lowered:
.L_overlay_start_1:
0x0: {  	(tag) =	ssettag $0x1  }
0x1: {  	s4 =	rddreg [dreg:$0x0]  }
0x2: {  	s6 =	rddreg [dreg:$0x1]  }
0x3: {  	s0 =	rddreg [dreg:$0x2];
	s1 =	simm.s32 $0x0  }
0x4: {  	s2 =	simm.s32 $0x8640;
	[smem:$0x7FF] =	sst s1  }
0x5: {  	s30 =	simm.s32 $0x8C80;
	_ =	strace $0x80000047;
	[dreg:$0x3] =	wrdreg s2  }
0x6: {  	s31 =	simm.s32 $0x92C0;
	[dreg:$0x4] =	wrdreg s30  }
0x7: {  	s3 =	simm.s32 $0x9900;
	[dreg:$0x5] =	wrdreg s31  }
0x8: {  	s5 =	simm.s32 $0x9F40;
	[dreg:$0x6] =	wrdreg s3  }
0x9: {  	s7 =	simm.s32 $0xA580;
	[dreg:$0x7] =	wrdreg s5  }
0xa: {  	s8 =	simm.s32 $0xABC0;
	[dreg:$0x8] =	wrdreg s7  }
0xb: {  	s9 =	simm.s32 $0xB200;
	[dreg:$0x9] =	wrdreg s8  }
0xc: {  	s10 =	simm.s32 $0xBE80;
	[dreg:$0xa] =	wrdreg s9  }
0xd: {  	s11 =	simm.s32 $0xCB00;
	[dreg:$0xc] =	wrdreg s10  }
0xe: {  	s12 =	simm.s32 $0xD140;
	[dreg:$0xe] =	wrdreg s11  }
0xf: {  	s14 =	simm.s32 $0xD780;
	[dreg:$0xf] =	wrdreg s12  }
0x10: {  	s15 =	simm.s32 $0xDDC0;
	[dreg:$0x10] =	wrdreg s14  }
0x11: {  	s16 =	simm.s32 $0xEA40;
	[dreg:$0x11] =	wrdreg s15  }
0x12: {  	s17 =	simm.s32 $0xF080;
	[dreg:$0x12] =	wrdreg s16  }
0x13: {  	s19 =	simm.s32 $0xF6C0;
	[dreg:$0x13] =	wrdreg s17  }
0x14: {  	s21 =	simm.s32 $0xFD00;
	[dreg:$0x14] =	wrdreg s19  }
0x15: {  	s22 =	simm.s32 $0x10340;
	[dreg:$0x15] =	wrdreg s21  }
0x16: {  	s23 =	simm.s32 $0x10980;
	[dreg:$0x16] =	wrdreg s22  }
0x17: {  	s24 =	simm.s32 $0x10FC0;
	[dreg:$0x17] =	wrdreg s23  }
0x18: {  	s26 =	simm.s32 $0x11600;
	[dreg:$0x18] =	wrdreg s24  }
0x19: {  	s28 =	simm.s32 $0x11C40;
	[dreg:$0x19] =	wrdreg s26  }
0x1a: {  	s29 =	simm.s32 $0x12280;
	[dreg:$0x1a] =	wrdreg s28  }
0x1b: {  	s3 =	simm.s32 $0xB840;
	[dreg:$0x1b] =	wrdreg s29  }
0x1c: {  	s2 =	sadd.s32 $0xF42E00, s4;
	s7 =	simm.s32 $0xC4C0;
	[dreg:$0xb] =	wrdreg s3  }
0x1d: {  	s5 =	srdreg.scid;
	s30 =	simm.s32 $0x128C0;
	[dreg:$0xd] =	wrdreg s7  }
0x1e: {  	s31 =	simm.s32 $0x12F00;
	s10 =	simm.s32 $0x13540;
	[dreg:$0x1c] =	wrdreg s30  }
0x1f: {  	s11 =	simm.s32 $0x13B80;
	s12 =	simm.s32 $0x141C0;
	[dreg:$0x1d] =	wrdreg s31  }
0x20: {  	s14 =	simm.s32 $0x4;
	s15 =	simm.s32 $0x0;
	[dreg:$0x1e] =	wrdreg s10  }
0x21: {  	s3 =	stileid.u32;
	s8 =	sand.u32 $0x1, s5;
	[dreg:$0x1f] =	wrdreg s11  }
0x22: {  	s10 =	simm.s32 $0x1;
	s11 =	simm.s32 $0xE400;
	[smem:$0x7FD] =	sst s12  }
0x23: {  	s12 =	simm.s32 $0x2;
	s13 =	sshll.u32 s3, $0xD;
	s25 =	smul.u32 $0x32000, s3  }
0x24: {  	s9 =	sshll.u32 s8, $0xC;
	s18 =	ssub.s32 $0x2, s8;
	s8 =	smul.u32 $0x19000, s8  }
0x25: {  	s7 =	sor.u32 s9, s13;
	s20 =	sshrl.u32 s18, $0x1;
	s9 =	simm.s32 $0x8000  }
0x26: {  	s13 =	simm.s32 $0x3;
	s4 =	sadd.s32 s7, s4;
	s7 =	ssub.s32 s18, s20  }
0x27: {  	s6 =	sadd.s32 s25, s6;
	s4 =	sadd.s32 $0xA00, s4;
	s5 =	smax.u32 s7, $0x1  }
0x28: {  	s6 =	sadd.s32 s8, s6;
	s7 =	simm.s32 $0x5;
	s8 =	simm.s32 $0x32  }
.LBB2_1:
0x29: {  	[tilespmem:s1], [sflag:$0x5] =	stream.linear.gather [hbm4b:s4+s1], $0x8000, $0x38;
	[tilespmem:$0x14800] =	vst v63  }
0x2a: {  	_ =	swait.ge [sflag:s7], $0x8000  }
0x2b: {  	[sflag:s7] =	ssyncset.done $0x0  }
0x2c: {  	s16 =	simm.s32 $0x0;
	[sflag:s7] =	ssyncadd.s32 $0xFFFF8000  }
0x2d: {  	[tilespmem:s9], [sflag:$0x1] =	stream.indirect.gather [hbm4b:s2+s8], $0x20, s16, s8, $0xb8;
	[tilespmem:$0x14800] =	vst v63  }
0x2e: {  	s20 =	simm.s32 $0x40;
	s17 =	rddreg [dreg:$0x3]  }
0x2f: {  	[tilespmem:s17], [sflag:$0x1] =	stream.indirect.gather [hbm4b:s2+s8], $0x20, s20, s8, $0xb8;
	[tilespmem:$0x14800] =	vst v63  }
0x30: {  	s21 =	simm.s32 $0x80;
	s18 =	rddreg [dreg:$0x4]  }
0x31: {  	[tilespmem:s18], [sflag:$0x1] =	stream.indirect.gather [hbm4b:s2+s8], $0x20, s21, s8, $0xb8;
	[tilespmem:$0x14800] =	vst v63  }
0x32: {  	s23 =	simm.s32 $0xC0;
	s22 =	rddreg [dreg:$0x5]  }
0x33: {  	[tilespmem:s22], [sflag:$0x1] =	stream.indirect.gather [hbm4b:s2+s8], $0x20, s23, s8, $0xb8;
	[tilespmem:$0x14800] =	vst v63  }
0x34: {  	s25 =	simm.s32 $0x100;
	s24 =	rddreg [dreg:$0x6]  }
0x35: {  	[tilespmem:s24], [sflag:$0x1] =	stream.indirect.gather [hbm4b:s2+s8], $0x20, s25, s8, $0xb8;
	[tilespmem:$0x14800] =	vst v63  }
0x36: {  	s28 =	simm.s32 $0x140;
	s26 =	rddreg [dreg:$0x7]  }
0x37: {  	[tilespmem:s26], [sflag:$0x1] =	stream.indirect.gather [hbm4b:s2+s8], $0x20, s28, s8, $0xb8;
	[tilespmem:$0x14800] =	vst v63  }
0x38: {  	s30 =	simm.s32 $0x180;
	s29 =	rddreg [dreg:$0x8]  }
0x39: {  	[tilespmem:s29], [sflag:$0x1] =	stream.indirect.gather [hbm4b:s2+s8], $0x20, s30, s8, $0xb8;
	[tilespmem:$0x14800] =	vst v63  }
0x3a: {  	s19 =	simm.s32 $0x1C0;
	s31 =	rddreg [dreg:$0x9]  }
0x3b: {  	[tilespmem:s31], [sflag:$0x1] =	stream.indirect.gather [hbm4b:s2+s8], $0x20, s19, s8, $0xb8;
	[tilespmem:$0x14800] =	vst v63  }
0x3c: {  	s20 =	rddreg [dreg:$0xa];
	s21 =	simm.s32 $0x200  }
0x3d: {  	[tilespmem:s20], [sflag:$0x1] =	stream.indirect.gather [hbm4b:s2+s8], $0x20, s21, s8, $0xb8;
	[tilespmem:$0x14800] =	vst v63  }
0x3e: {  	s22 =	rddreg [dreg:$0xb];
	s23 =	simm.s32 $0x240  }
0x3f: {  	[tilespmem:s22], [sflag:$0x1] =	stream.indirect.gather [hbm4b:s2+s8], $0x20, s23, s8, $0xb8;
	[tilespmem:$0x14800] =	vst v63  }
0x40: {  	s24 =	rddreg [dreg:$0xc];
	s25 =	simm.s32 $0x280  }
0x41: {  	[tilespmem:s24], [sflag:$0x1] =	stream.indirect.gather [hbm4b:s2+s8], $0x20, s25, s8, $0xb8;
	[tilespmem:$0x14800] =	vst v63  }
0x42: {  	s26 =	rddreg [dreg:$0xd];
	s28 =	simm.s32 $0x2C0  }
0x43: {  	[tilespmem:s26], [sflag:$0x1] =	stream.indirect.gather [hbm4b:s2+s8], $0x20, s28, s8, $0xb8;
	[tilespmem:$0x14800] =	vst v63  }
0x44: {  	s29 =	rddreg [dreg:$0xe];
	s30 =	simm.s32 $0x300  }
0x45: {  	[tilespmem:s29], [sflag:$0x1] =	stream.indirect.gather [hbm4b:s2+s8], $0x20, s30, s8, $0xb8;
	[tilespmem:$0x14800] =	vst v63  }
0x46: {  	s18 =	simm.s32 $0x340;
	s31 =	rddreg [dreg:$0xf]  }
0x47: {  	[tilespmem:s31], [sflag:$0x1] =	stream.indirect.gather [hbm4b:s2+s8], $0x20, s18, s8, $0xb8;
	[tilespmem:$0x14800] =	vst v63  }
0x48: {  	s19 =	rddreg [dreg:$0x10];
	s20 =	simm.s32 $0x380  }
0x49: {  	[tilespmem:s19], [sflag:$0x1] =	stream.indirect.gather [hbm4b:s2+s8], $0x20, s20, s8, $0xb8;
	[tilespmem:$0x14800] =	vst v63  }
0x4a: {  	s21 =	rddreg [dreg:$0x11];
	s22 =	simm.s32 $0x3C0  }
0x4b: {  	[tilespmem:s21], [sflag:$0x1] =	stream.indirect.gather [hbm4b:s2+s8], $0x20, s22, s8, $0xb8;
	[tilespmem:$0x14800] =	vst v63  }
0x4c: {  	_ =	swait.ge [sflag:s10], $0x640  }
0x4d: {  	[sflag:s10] =	ssyncset.done $0x0  }
0x4e: {  	[sflag:s10] =	ssyncadd.s32 $0xFFFFF9C0  }
0x4f: {  	_ =	swait.ge [sflag:s10], $0x640  }
0x50: {  	[sflag:s10] =	ssyncset.done $0x0  }
0x51: {  	[sflag:s10] =	ssyncadd.s32 $0xFFFFF9C0  }
0x52: {  	_ =	swait.ge [sflag:s10], $0x640  }
0x53: {  	[sflag:s10] =	ssyncset.done $0x0  }
0x54: {  	[sflag:s10] =	ssyncadd.s32 $0xFFFFF9C0  }
0x55: {  	_ =	swait.ge [sflag:s10], $0x640  }
0x56: {  	[sflag:s10] =	ssyncset.done $0x0  }
0x57: {  	[sflag:s10] =	ssyncadd.s32 $0xFFFFF9C0  }
0x58: {  	_ =	swait.ge [sflag:s10], $0x640  }
0x59: {  	[sflag:s10] =	ssyncset.done $0x0  }
0x5a: {  	[sflag:s10] =	ssyncadd.s32 $0xFFFFF9C0  }
0x5b: {  	_ =	swait.ge [sflag:s10], $0x640  }
0x5c: {  	[sflag:s10] =	ssyncset.done $0x0  }
0x5d: {  	[sflag:s10] =	ssyncadd.s32 $0xFFFFF9C0  }
0x5e: {  	_ =	swait.ge [sflag:s10], $0x640  }
0x5f: {  	[sflag:s10] =	ssyncset.done $0x0  }
0x60: {  	[sflag:s10] =	ssyncadd.s32 $0xFFFFF9C0  }
0x61: {  	_ =	swait.ge [sflag:s10], $0x640  }
0x62: {  	[sflag:s10] =	ssyncset.done $0x0  }
0x63: {  	[sflag:s10] =	ssyncadd.s32 $0xFFFFF9C0  }
0x64: {  	_ =	swait.ge [sflag:s10], $0x640  }
0x65: {  	[sflag:s10] =	ssyncset.done $0x0  }
0x66: {  	[sflag:s10] =	ssyncadd.s32 $0xFFFFF9C0  }
0x67: {  	_ =	swait.ge [sflag:s10], $0x640  }
0x68: {  	[sflag:s10] =	ssyncset.done $0x0  }
0x69: {  	[sflag:s10] =	ssyncadd.s32 $0xFFFFF9C0  }
0x6a: {  	_ =	swait.ge [sflag:s10], $0x640  }
0x6b: {  	[sflag:s10] =	ssyncset.done $0x0  }
0x6c: {  	[sflag:s10] =	ssyncadd.s32 $0xFFFFF9C0  }
0x6d: {  	_ =	swait.ge [sflag:s10], $0x640  }
0x6e: {  	[sflag:s10] =	ssyncset.done $0x0  }
0x6f: {  	[sflag:s10] =	ssyncadd.s32 $0xFFFFF9C0  }
0x70: {  	_ =	swait.ge [sflag:s10], $0x640  }
0x71: {  	[sflag:s10] =	ssyncset.done $0x0  }
0x72: {  	[sflag:s10] =	ssyncadd.s32 $0xFFFFF9C0  }
0x73: {  	_ =	swait.ge [sflag:s10], $0x640  }
0x74: {  	[sflag:s10] =	ssyncset.done $0x0  }
0x75: {  	[sflag:s10] =	ssyncadd.s32 $0xFFFFF9C0  }
0x76: {  	_ =	swait.ge [sflag:s10], $0x640  }
0x77: {  	[sflag:s10] =	ssyncset.done $0x0  }
0x78: {  	[sflag:s10] =	ssyncadd.s32 $0xFFFFF9C0  }
0x79: {  	_ =	swait.ge [sflag:s10], $0x640  }
0x7a: {  	[sflag:s10] =	ssyncset.done $0x0  }
0x7b: {  	[sflag:s10] =	ssyncadd.s32 $0xFFFFF9C0  }
0x7c: {  	[hbm4b:s6+s1] =	stream.linear.scatter [tilespmem:s9], [sflag:$0x3], $0x6400, $0x38;
	[tilespmem:$0x14800] =	vst v63  }
0x7d: {  	s23 =	simm.s32 $0x400;
	s24 =	rddreg [dreg:$0x12]  }
0x7e: {  	[tilespmem:s11], [sflag:$0x2] =	stream.indirect.gather [hbm4b:s2+s8], $0x20, s23, s8, $0xb8;
	[tilespmem:$0x14800] =	vst v63  }
0x7f: {  	s25 =	simm.s32 $0x440;
	s26 =	rddreg [dreg:$0x13]  }
0x80: {  	[tilespmem:s24], [sflag:$0x2] =	stream.indirect.gather [hbm4b:s2+s8], $0x20, s25, s8, $0xb8;
	[tilespmem:$0x14800] =	vst v63  }
0x81: {  	s28 =	simm.s32 $0x480;
	s29 =	rddreg [dreg:$0x14]  }
0x82: {  	[tilespmem:s26], [sflag:$0x2] =	stream.indirect.gather [hbm4b:s2+s8], $0x20, s28, s8, $0xb8;
	[tilespmem:$0x14800] =	vst v63  }
0x83: {  	s30 =	simm.s32 $0x4C0;
	s31 =	rddreg [dreg:$0x15]  }
0x84: {  	[tilespmem:s29], [sflag:$0x2] =	stream.indirect.gather [hbm4b:s2+s8], $0x20, s30, s8, $0xb8;
	[tilespmem:$0x14800] =	vst v63  }
0x85: {  	s19 =	simm.s32 $0x500;
	s20 =	rddreg [dreg:$0x16]  }
0x86: {  	[tilespmem:s31], [sflag:$0x2] =	stream.indirect.gather [hbm4b:s2+s8], $0x20, s19, s8, $0xb8;
	[tilespmem:$0x14800] =	vst v63  }
0x87: {  	s21 =	simm.s32 $0x540;
	s22 =	rddreg [dreg:$0x17]  }
0x88: {  	[tilespmem:s20], [sflag:$0x2] =	stream.indirect.gather [hbm4b:s2+s8], $0x20, s21, s8, $0xb8;
	[tilespmem:$0x14800] =	vst v63  }
0x89: {  	s23 =	simm.s32 $0x580;
	s24 =	rddreg [dreg:$0x18]  }
0x8a: {  	[tilespmem:s22], [sflag:$0x2] =	stream.indirect.gather [hbm4b:s2+s8], $0x20, s23, s8, $0xb8;
	[tilespmem:$0x14800] =	vst v63  }
0x8b: {  	s25 =	simm.s32 $0x5C0;
	s26 =	rddreg [dreg:$0x19]  }
0x8c: {  	[tilespmem:s24], [sflag:$0x2] =	stream.indirect.gather [hbm4b:s2+s8], $0x20, s25, s8, $0xb8;
	[tilespmem:$0x14800] =	vst v63  }
0x8d: {  	s28 =	simm.s32 $0x600;
	s29 =	rddreg [dreg:$0x1a]  }
0x8e: {  	[tilespmem:s26], [sflag:$0x2] =	stream.indirect.gather [hbm4b:s2+s8], $0x20, s28, s8, $0xb8;
	[tilespmem:$0x14800] =	vst v63  }
0x8f: {  	s30 =	rddreg [dreg:$0x1b];
	s31 =	simm.s32 $0x640  }
0x90: {  	[tilespmem:s29], [sflag:$0x2] =	stream.indirect.gather [hbm4b:s2+s8], $0x20, s31, s8, $0xb8;
	[tilespmem:$0x14800] =	vst v63  }
0x91: {  	s19 =	simm.s32 $0x680;
	s20 =	rddreg [dreg:$0x1c]  }
0x92: {  	[tilespmem:s30], [sflag:$0x2] =	stream.indirect.gather [hbm4b:s2+s8], $0x20, s19, s8, $0xb8;
	[tilespmem:$0x14800] =	vst v63  }
0x93: {  	s21 =	simm.s32 $0x6C0;
	s22 =	rddreg [dreg:$0x1d]  }
0x94: {  	[tilespmem:s20], [sflag:$0x2] =	stream.indirect.gather [hbm4b:s2+s8], $0x20, s21, s8, $0xb8;
	[tilespmem:$0x14800] =	vst v63  }
0x95: {  	s23 =	rddreg [dreg:$0x1e];
	s24 =	simm.s32 $0x700  }
0x96: {  	[tilespmem:s22], [sflag:$0x2] =	stream.indirect.gather [hbm4b:s2+s8], $0x20, s24, s8, $0xb8;
	[tilespmem:$0x14800] =	vst v63  }
0x97: {  	s25 =	simm.s32 $0x740;
	s26 =	rddreg [dreg:$0x1f]  }
0x98: {  	[tilespmem:s23], [sflag:$0x2] =	stream.indirect.gather [hbm4b:s2+s8], $0x20, s25, s8, $0xb8;
	[tilespmem:$0x14800] =	vst v63  }
0x99: {  	s28 =	simm.s32 $0x780;
	s29 =	sld [smem:$0x7FD]  }
0x9a: {  	[tilespmem:s26], [sflag:$0x2] =	stream.indirect.gather [hbm4b:s2+s8], $0x20, s28, s8, $0xb8;
	[tilespmem:$0x14800] =	vst v63  }
0x9b: {  	s30 =	simm.s32 $0x7C0  }
0x9c: {  	[tilespmem:s29], [sflag:$0x2] =	stream.indirect.gather [hbm4b:s2+s8], $0x20, s30, s8, $0xb8;
	[tilespmem:$0x14800] =	vst v63  }
0x9d: {  	_ =	swait.ge [sflag:s12], $0x640  }
0x9e: {  	[sflag:s12] =	ssyncset.done $0x0  }
0x9f: {  	[sflag:s12] =	ssyncadd.s32 $0xFFFFF9C0  }
0xa0: {  	_ =	swait.ge [sflag:s12], $0x640  }
0xa1: {  	[sflag:s12] =	ssyncset.done $0x0  }
0xa2: {  	[sflag:s12] =	ssyncadd.s32 $0xFFFFF9C0  }
0xa3: {  	_ =	swait.ge [sflag:s12], $0x640  }
0xa4: {  	[sflag:s12] =	ssyncset.done $0x0  }
0xa5: {  	[sflag:s12] =	ssyncadd.s32 $0xFFFFF9C0  }
0xa6: {  	_ =	swait.ge [sflag:s12], $0x640  }
0xa7: {  	[sflag:s12] =	ssyncset.done $0x0  }
0xa8: {  	[sflag:s12] =	ssyncadd.s32 $0xFFFFF9C0  }
0xa9: {  	_ =	swait.ge [sflag:s12], $0x640  }
0xaa: {  	[sflag:s12] =	ssyncset.done $0x0  }
0xab: {  	[sflag:s12] =	ssyncadd.s32 $0xFFFFF9C0  }
0xac: {  	_ =	swait.ge [sflag:s12], $0x640  }
0xad: {  	[sflag:s12] =	ssyncset.done $0x0  }
0xae: {  	[sflag:s12] =	ssyncadd.s32 $0xFFFFF9C0  }
0xaf: {  	_ =	swait.ge [sflag:s12], $0x640  }
0xb0: {  	[sflag:s12] =	ssyncset.done $0x0  }
0xb1: {  	[sflag:s12] =	ssyncadd.s32 $0xFFFFF9C0  }
0xb2: {  	_ =	swait.ge [sflag:s12], $0x640  }
0xb3: {  	[sflag:s12] =	ssyncset.done $0x0  }
0xb4: {  	[sflag:s12] =	ssyncadd.s32 $0xFFFFF9C0  }
0xb5: {  	_ =	swait.ge [sflag:s12], $0x640  }
0xb6: {  	[sflag:s12] =	ssyncset.done $0x0  }
0xb7: {  	[sflag:s12] =	ssyncadd.s32 $0xFFFFF9C0  }
0xb8: {  	_ =	swait.ge [sflag:s12], $0x640  }
0xb9: {  	[sflag:s12] =	ssyncset.done $0x0  }
0xba: {  	[sflag:s12] =	ssyncadd.s32 $0xFFFFF9C0  }
0xbb: {  	_ =	swait.ge [sflag:s12], $0x640  }
0xbc: {  	[sflag:s12] =	ssyncset.done $0x0  }
0xbd: {  	[sflag:s12] =	ssyncadd.s32 $0xFFFFF9C0  }
0xbe: {  	_ =	swait.ge [sflag:s12], $0x640  }
0xbf: {  	[sflag:s12] =	ssyncset.done $0x0  }
0xc0: {  	[sflag:s12] =	ssyncadd.s32 $0xFFFFF9C0  }
0xc1: {  	_ =	swait.ge [sflag:s12], $0x640  }
0xc2: {  	[sflag:s12] =	ssyncset.done $0x0  }
0xc3: {  	[sflag:s12] =	ssyncadd.s32 $0xFFFFF9C0  }
0xc4: {  	_ =	swait.ge [sflag:s12], $0x640  }
0xc5: {  	[sflag:s12] =	ssyncset.done $0x0  }
0xc6: {  	[sflag:s12] =	ssyncadd.s32 $0xFFFFF9C0  }
0xc7: {  	_ =	swait.ge [sflag:s12], $0x640  }
0xc8: {  	[sflag:s12] =	ssyncset.done $0x0  }
0xc9: {  	[sflag:s12] =	ssyncadd.s32 $0xFFFFF9C0  }
0xca: {  	_ =	swait.ge [sflag:s12], $0x640  }
0xcb: {  	[sflag:s12] =	ssyncset.done $0x0  }
0xcc: {  	[sflag:s12] =	ssyncadd.s32 $0xFFFFF9C0  }
0xcd: {  	_ =	swait.ge [sflag:s13], $0x6400  }
0xce: {  	[sflag:s13] =	ssyncset.done $0x0  }
0xcf: {  	s31 =	sadd.s32 $0xC80, s6;
	[sflag:s13] =	ssyncadd.s32 $0xFFFF9C00  }
0xd0: {  	[hbm4b:s31+s1] =	stream.linear.scatter [tilespmem:s11], [sflag:$0x4], $0x6400, $0x38;
	[tilespmem:$0x14800] =	vst v63  }
0xd1: {  	s16 =	sadd.s32 $0x1900, s6;
	_ =	swait.ge [sflag:s14], $0x6400  }
0xd2: {  	s17 =	simm.s32 $0x2000;
	s20 =	simm.s32 $0x4000;
	[sflag:s14] =	ssyncset.done $0x0  }
.LBB2_2:
0xd3: {  	s19 =	sshra.s32 s17, $0x2;
	[sflag:s14] =	ssyncadd.s32 $0xFFFF9C00  }
0xd4: {  	[tilespmem:s9], [sflag:$0x1] =	stream.indirect.gather [hbm4b:s2+s8], $0x20, s19, s8, $0xb8;
	[tilespmem:$0x14800] =	vst v63  }
0xd5: {  	s21 =	rddreg [dreg:$0x3];
	s22 =	sadd.s32 $0x40, s19  }
0xd6: {  	[tilespmem:s21], [sflag:$0x1] =	stream.indirect.gather [hbm4b:s2+s8], $0x20, s22, s8, $0xb8;
	[tilespmem:$0x14800] =	vst v63  }
0xd7: {  	s23 =	rddreg [dreg:$0x4];
	s21 =	sadd.s32 $0x80, s19  }
0xd8: {  	[tilespmem:s23], [sflag:$0x1] =	stream.indirect.gather [hbm4b:s2+s8], $0x20, s21, s8, $0xb8;
	[tilespmem:$0x14800] =	vst v63  }
0xd9: {  	s22 =	rddreg [dreg:$0x5];
	s23 =	sadd.s32 $0xC0, s19  }
0xda: {  	[tilespmem:s22], [sflag:$0x1] =	stream.indirect.gather [hbm4b:s2+s8], $0x20, s23, s8, $0xb8;
	[tilespmem:$0x14800] =	vst v63  }
0xdb: {  	s24 =	rddreg [dreg:$0x6];
	s25 =	sadd.s32 $0x100, s19  }
0xdc: {  	[tilespmem:s24], [sflag:$0x1] =	stream.indirect.gather [hbm4b:s2+s8], $0x20, s25, s8, $0xb8;
	[tilespmem:$0x14800] =	vst v63  }
0xdd: {  	s26 =	rddreg [dreg:$0x7];
	s28 =	sadd.s32 $0x140, s19  }
0xde: {  	[tilespmem:s26], [sflag:$0x1] =	stream.indirect.gather [hbm4b:s2+s8], $0x20, s28, s8, $0xb8;
	[tilespmem:$0x14800] =	vst v63  }
0xdf: {  	s29 =	rddreg [dreg:$0x8];
	s30 =	sadd.s32 $0x180, s19  }
0xe0: {  	[tilespmem:s29], [sflag:$0x1] =	stream.indirect.gather [hbm4b:s2+s8], $0x20, s30, s8, $0xb8;
	[tilespmem:$0x14800] =	vst v63  }
0xe1: {  	s31 =	rddreg [dreg:$0x9];
	s23 =	sadd.s32 $0x1C0, s19  }
0xe2: {  	[tilespmem:s31], [sflag:$0x1] =	stream.indirect.gather [hbm4b:s2+s8], $0x20, s23, s8, $0xb8;
	[tilespmem:$0x14800] =	vst v63  }
0xe3: {  	s24 =	rddreg [dreg:$0xa];
	s25 =	sadd.s32 $0x200, s19  }
0xe4: {  	[tilespmem:s24], [sflag:$0x1] =	stream.indirect.gather [hbm4b:s2+s8], $0x20, s25, s8, $0xb8;
	[tilespmem:$0x14800] =	vst v63  }
0xe5: {  	s26 =	rddreg [dreg:$0xb];
	s28 =	sadd.s32 $0x240, s19  }
0xe6: {  	[tilespmem:s26], [sflag:$0x1] =	stream.indirect.gather [hbm4b:s2+s8], $0x20, s28, s8, $0xb8;
	[tilespmem:$0x14800] =	vst v63  }
0xe7: {  	s29 =	rddreg [dreg:$0xc];
	s30 =	sadd.s32 $0x280, s19  }
0xe8: {  	[tilespmem:s29], [sflag:$0x1] =	stream.indirect.gather [hbm4b:s2+s8], $0x20, s30, s8, $0xb8;
	[tilespmem:$0x14800] =	vst v63  }
0xe9: {  	s31 =	rddreg [dreg:$0xd];
	s23 =	sadd.s32 $0x2C0, s19  }
0xea: {  	[tilespmem:s31], [sflag:$0x1] =	stream.indirect.gather [hbm4b:s2+s8], $0x20, s23, s8, $0xb8;
	[tilespmem:$0x14800] =	vst v63  }
0xeb: {  	s24 =	rddreg [dreg:$0xe];
	s25 =	sadd.s32 $0x300, s19  }
0xec: {  	[tilespmem:s24], [sflag:$0x1] =	stream.indirect.gather [hbm4b:s2+s8], $0x20, s25, s8, $0xb8;
	[tilespmem:$0x14800] =	vst v63  }
0xed: {  	s26 =	rddreg [dreg:$0xf];
	s28 =	sadd.s32 $0x340, s19  }
0xee: {  	[tilespmem:s26], [sflag:$0x1] =	stream.indirect.gather [hbm4b:s2+s8], $0x20, s28, s8, $0xb8;
	[tilespmem:$0x14800] =	vst v63  }
0xef: {  	s29 =	rddreg [dreg:$0x10];
	s30 =	sadd.s32 $0x380, s19  }
0xf0: {  	[tilespmem:s29], [sflag:$0x1] =	stream.indirect.gather [hbm4b:s2+s8], $0x20, s30, s8, $0xb8;
	[tilespmem:$0x14800] =	vst v63  }
0xf1: {  	s31 =	rddreg [dreg:$0x11];
	s23 =	sadd.s32 $0x3C0, s19  }
0xf2: {  	[tilespmem:s31], [sflag:$0x1] =	stream.indirect.gather [hbm4b:s2+s8], $0x20, s23, s8, $0xb8;
	[tilespmem:$0x14800] =	vst v63  }
0xf3: {  	_ =	swait.ge [sflag:s10], $0x640  }
0xf4: {  	[sflag:s10] =	ssyncset.done $0x0  }
0xf5: {  	[sflag:s10] =	ssyncadd.s32 $0xFFFFF9C0  }
0xf6: {  	_ =	swait.ge [sflag:s10], $0x640  }
0xf7: {  	[sflag:s10] =	ssyncset.done $0x0  }
0xf8: {  	[sflag:s10] =	ssyncadd.s32 $0xFFFFF9C0  }
0xf9: {  	_ =	swait.ge [sflag:s10], $0x640  }
0xfa: {  	[sflag:s10] =	ssyncset.done $0x0  }
0xfb: {  	[sflag:s10] =	ssyncadd.s32 $0xFFFFF9C0  }
0xfc: {  	_ =	swait.ge [sflag:s10], $0x640  }
0xfd: {  	[sflag:s10] =	ssyncset.done $0x0  }
0xfe: {  	[sflag:s10] =	ssyncadd.s32 $0xFFFFF9C0  }
0xff: {  	_ =	swait.ge [sflag:s10], $0x640  }
0x100: {  	[sflag:s10] =	ssyncset.done $0x0  }
0x101: {  	[sflag:s10] =	ssyncadd.s32 $0xFFFFF9C0  }
0x102: {  	_ =	swait.ge [sflag:s10], $0x640  }
0x103: {  	[sflag:s10] =	ssyncset.done $0x0  }
0x104: {  	[sflag:s10] =	ssyncadd.s32 $0xFFFFF9C0  }
0x105: {  	_ =	swait.ge [sflag:s10], $0x640  }
0x106: {  	[sflag:s10] =	ssyncset.done $0x0  }
0x107: {  	[sflag:s10] =	ssyncadd.s32 $0xFFFFF9C0  }
0x108: {  	_ =	swait.ge [sflag:s10], $0x640  }
0x109: {  	[sflag:s10] =	ssyncset.done $0x0  }
0x10a: {  	[sflag:s10] =	ssyncadd.s32 $0xFFFFF9C0  }
0x10b: {  	_ =	swait.ge [sflag:s10], $0x640  }
0x10c: {  	[sflag:s10] =	ssyncset.done $0x0  }
0x10d: {  	[sflag:s10] =	ssyncadd.s32 $0xFFFFF9C0  }
0x10e: {  	_ =	swait.ge [sflag:s10], $0x640  }
0x10f: {  	[sflag:s10] =	ssyncset.done $0x0  }
0x110: {  	[sflag:s10] =	ssyncadd.s32 $0xFFFFF9C0  }
0x111: {  	_ =	swait.ge [sflag:s10], $0x640  }
0x112: {  	[sflag:s10] =	ssyncset.done $0x0  }
0x113: {  	[sflag:s10] =	ssyncadd.s32 $0xFFFFF9C0  }
0x114: {  	_ =	swait.ge [sflag:s10], $0x640  }
0x115: {  	[sflag:s10] =	ssyncset.done $0x0  }
0x116: {  	[sflag:s10] =	ssyncadd.s32 $0xFFFFF9C0  }
0x117: {  	_ =	swait.ge [sflag:s10], $0x640  }
0x118: {  	[sflag:s10] =	ssyncset.done $0x0  }
0x119: {  	[sflag:s10] =	ssyncadd.s32 $0xFFFFF9C0  }
0x11a: {  	_ =	swait.ge [sflag:s10], $0x640  }
0x11b: {  	[sflag:s10] =	ssyncset.done $0x0  }
0x11c: {  	[sflag:s10] =	ssyncadd.s32 $0xFFFFF9C0  }
0x11d: {  	_ =	swait.ge [sflag:s10], $0x640  }
0x11e: {  	[sflag:s10] =	ssyncset.done $0x0  }
0x11f: {  	[sflag:s10] =	ssyncadd.s32 $0xFFFFF9C0  }
0x120: {  	_ =	swait.ge [sflag:s10], $0x640  }
0x121: {  	[sflag:s10] =	ssyncset.done $0x0  }
0x122: {  	[sflag:s10] =	ssyncadd.s32 $0xFFFFF9C0  }
0x123: {  	[hbm4b:s16+s1] =	stream.linear.scatter [tilespmem:s9], [sflag:$0x3], $0x6400, $0x38;
	[tilespmem:$0x14800] =	vst v63  }
0x124: {  	s24 =	sadd.s32 $0x400, s19;
	s21 =	rddreg [dreg:$0x1b]  }
0x125: {  	[tilespmem:s11], [sflag:$0x2] =	stream.indirect.gather [hbm4b:s2+s8], $0x20, s24, s8, $0xb8;
	[tilespmem:$0x14800] =	vst v63  }
0x126: {  	s26 =	sadd.s32 $0x440, s19;
	s25 =	rddreg [dreg:$0x12]  }
0x127: {  	[tilespmem:s25], [sflag:$0x2] =	stream.indirect.gather [hbm4b:s2+s8], $0x20, s26, s8, $0xb8;
	[tilespmem:$0x14800] =	vst v63  }
0x128: {  	s28 =	sadd.s32 $0x480, s19;
	s24 =	rddreg [dreg:$0x13]  }
0x129: {  	[tilespmem:s24], [sflag:$0x2] =	stream.indirect.gather [hbm4b:s2+s8], $0x20, s28, s8, $0xb8;
	[tilespmem:$0x14800] =	vst v63  }
0x12a: {  	s30 =	sadd.s32 $0x4C0, s19;
	s29 =	rddreg [dreg:$0x14]  }
0x12b: {  	[tilespmem:s29], [sflag:$0x2] =	stream.indirect.gather [hbm4b:s2+s8], $0x20, s30, s8, $0xb8;
	[tilespmem:$0x14800] =	vst v63  }
0x12c: {  	s31 =	rddreg [dreg:$0x15];
	s25 =	sadd.s32 $0x500, s19  }
0x12d: {  	[tilespmem:s31], [sflag:$0x2] =	stream.indirect.gather [hbm4b:s2+s8], $0x20, s25, s8, $0xb8;
	[tilespmem:$0x14800] =	vst v63  }
0x12e: {  	s26 =	rddreg [dreg:$0x16];
	s28 =	sadd.s32 $0x540, s19  }
0x12f: {  	[tilespmem:s26], [sflag:$0x2] =	stream.indirect.gather [hbm4b:s2+s8], $0x20, s28, s8, $0xb8;
	[tilespmem:$0x14800] =	vst v63  }
0x130: {  	s29 =	rddreg [dreg:$0x17];
	s30 =	sadd.s32 $0x580, s19  }
0x131: {  	[tilespmem:s29], [sflag:$0x2] =	stream.indirect.gather [hbm4b:s2+s8], $0x20, s30, s8, $0xb8;
	[tilespmem:$0x14800] =	vst v63  }
0x132: {  	s24 =	sadd.s32 $0x5C0, s19;
	s31 =	rddreg [dreg:$0x18]  }
0x133: {  	[tilespmem:s31], [sflag:$0x2] =	stream.indirect.gather [hbm4b:s2+s8], $0x20, s24, s8, $0xb8;
	[tilespmem:$0x14800] =	vst v63  }
0x134: {  	s17 =	smov.u32 s20;
	s25 =	rddreg [dreg:$0x19];
	s26 =	sadd.s32 $0x600, s19  }
0x135: {  	[tilespmem:s25], [sflag:$0x2] =	stream.indirect.gather [hbm4b:s2+s8], $0x20, s26, s8, $0xb8;
	[tilespmem:$0x14800] =	vst v63  }
0x136: {  	s18 =	sadd.s32 $0x2000, s20;
	s28 =	rddreg [dreg:$0x1a];
	s29 =	sadd.s32 $0x640, s19  }
0x137: {  	[tilespmem:s28], [sflag:$0x2] =	stream.indirect.gather [hbm4b:s2+s8], $0x20, s29, s8, $0xb8;
	[tilespmem:$0x14800] =	vst v63  }
0x138: {  	p0 =	sne.s32 s20, $0x1E000;
	s20 =	rddreg [dreg:$0x1e];
	s30 =	sadd.s32 $0x680, s19  }
0x139: {  	[tilespmem:s21], [sflag:$0x2] =	stream.indirect.gather [hbm4b:s2+s8], $0x20, s30, s8, $0xb8;
	[tilespmem:$0x14800] =	vst v63  }
0x13a: {  	s22 =	sadd.s32 $0x6C0, s19;
	s31 =	rddreg [dreg:$0x1c]  }
0x13b: {  	[tilespmem:s31], [sflag:$0x2] =	stream.indirect.gather [hbm4b:s2+s8], $0x20, s22, s8, $0xb8;
	[tilespmem:$0x14800] =	vst v63  }
0x13c: {  	s24 =	rddreg [dreg:$0x1d];
	s25 =	sadd.s32 $0x700, s19  }
0x13d: {  	[tilespmem:s24], [sflag:$0x2] =	stream.indirect.gather [hbm4b:s2+s8], $0x20, s25, s8, $0xb8;
	[tilespmem:$0x14800] =	vst v63  }
0x13e: {  	s26 =	sadd.s32 $0x740, s19;
	s28 =	rddreg [dreg:$0x1f]  }
0x13f: {  	[tilespmem:s20], [sflag:$0x2] =	stream.indirect.gather [hbm4b:s2+s8], $0x20, s26, s8, $0xb8;
	[tilespmem:$0x14800] =	vst v63  }
0x140: {  	s29 =	sadd.s32 $0x780, s19;
	s30 =	sld [smem:$0x7FD]  }
0x141: {  	[tilespmem:s28], [sflag:$0x2] =	stream.indirect.gather [hbm4b:s2+s8], $0x20, s29, s8, $0xb8;
	[tilespmem:$0x14800] =	vst v63  }
0x142: {  	s19 =	sadd.s32 $0x7C0, s19  }
0x143: {  	[tilespmem:s30], [sflag:$0x2] =	stream.indirect.gather [hbm4b:s2+s8], $0x20, s19, s8, $0xb8;
	[tilespmem:$0x14800] =	vst v63  }
0x144: {  	_ =	swait.ge [sflag:s12], $0x640  }
0x145: {  	[sflag:s12] =	ssyncset.done $0x0  }
0x146: {  	[sflag:s12] =	ssyncadd.s32 $0xFFFFF9C0  }
0x147: {  	_ =	swait.ge [sflag:s12], $0x640  }
0x148: {  	[sflag:s12] =	ssyncset.done $0x0  }
0x149: {  	[sflag:s12] =	ssyncadd.s32 $0xFFFFF9C0  }
0x14a: {  	_ =	swait.ge [sflag:s12], $0x640  }
0x14b: {  	[sflag:s12] =	ssyncset.done $0x0  }
0x14c: {  	[sflag:s12] =	ssyncadd.s32 $0xFFFFF9C0  }
0x14d: {  	_ =	swait.ge [sflag:s12], $0x640  }
0x14e: {  	[sflag:s12] =	ssyncset.done $0x0  }
0x14f: {  	[sflag:s12] =	ssyncadd.s32 $0xFFFFF9C0  }
0x150: {  	_ =	swait.ge [sflag:s12], $0x640  }
0x151: {  	[sflag:s12] =	ssyncset.done $0x0  }
0x152: {  	[sflag:s12] =	ssyncadd.s32 $0xFFFFF9C0  }
0x153: {  	_ =	swait.ge [sflag:s12], $0x640  }
0x154: {  	[sflag:s12] =	ssyncset.done $0x0  }
0x155: {  	[sflag:s12] =	ssyncadd.s32 $0xFFFFF9C0  }
0x156: {  	_ =	swait.ge [sflag:s12], $0x640  }
0x157: {  	[sflag:s12] =	ssyncset.done $0x0  }
0x158: {  	[sflag:s12] =	ssyncadd.s32 $0xFFFFF9C0  }
0x159: {  	_ =	swait.ge [sflag:s12], $0x640  }
0x15a: {  	[sflag:s12] =	ssyncset.done $0x0  }
0x15b: {  	[sflag:s12] =	ssyncadd.s32 $0xFFFFF9C0  }
0x15c: {  	_ =	swait.ge [sflag:s12], $0x640  }
0x15d: {  	[sflag:s12] =	ssyncset.done $0x0  }
0x15e: {  	[sflag:s12] =	ssyncadd.s32 $0xFFFFF9C0  }
0x15f: {  	_ =	swait.ge [sflag:s12], $0x640  }
0x160: {  	[sflag:s12] =	ssyncset.done $0x0  }
0x161: {  	[sflag:s12] =	ssyncadd.s32 $0xFFFFF9C0  }
0x162: {  	_ =	swait.ge [sflag:s12], $0x640  }
0x163: {  	[sflag:s12] =	ssyncset.done $0x0  }
0x164: {  	[sflag:s12] =	ssyncadd.s32 $0xFFFFF9C0  }
0x165: {  	_ =	swait.ge [sflag:s12], $0x640  }
0x166: {  	[sflag:s12] =	ssyncset.done $0x0  }
0x167: {  	[sflag:s12] =	ssyncadd.s32 $0xFFFFF9C0  }
0x168: {  	_ =	swait.ge [sflag:s12], $0x640  }
0x169: {  	[sflag:s12] =	ssyncset.done $0x0  }
0x16a: {  	[sflag:s12] =	ssyncadd.s32 $0xFFFFF9C0  }
0x16b: {  	_ =	swait.ge [sflag:s12], $0x640  }
0x16c: {  	[sflag:s12] =	ssyncset.done $0x0  }
0x16d: {  	[sflag:s12] =	ssyncadd.s32 $0xFFFFF9C0  }
0x16e: {  	_ =	swait.ge [sflag:s12], $0x640  }
0x16f: {  	[sflag:s12] =	ssyncset.done $0x0  }
0x170: {  	[sflag:s12] =	ssyncadd.s32 $0xFFFFF9C0  }
0x171: {  	_ =	swait.ge [sflag:s12], $0x640  }
0x172: {  	[sflag:s12] =	ssyncset.done $0x0  }
0x173: {  	[sflag:s12] =	ssyncadd.s32 $0xFFFFF9C0  }
0x174: {  	_ =	swait.ge [sflag:s13], $0x6400  }
.Ltmp0:
0x175: {  	[sflag:s13] =	ssyncset.done $0x0;
	(pc) =	sbr.rel @p0 .LBB2_2-.Ltmp0, $4  }
0x176: {  	s31 =	sadd.s32 $0xC80, s16;
	[sflag:s13] =	ssyncadd.s32 $0xFFFF9C00  }
0x177: {  	[hbm4b:s31+s1] =	stream.linear.scatter [tilespmem:s11], [sflag:$0x4], $0x6400, $0x38;
	[tilespmem:$0x14800] =	vst v63  }
0x178: {  	_ =	swait.ge [sflag:s14], $0x6400  }
0x179: {  	s16 =	sadd.s32 $0x1900, s16;
	s20 =	smov.u32 s18;
	[sflag:s14] =	ssyncset.done $0x0  }
0x17a: {  	s17 =	sshra.s32 s17, $0x2;
	[sflag:s14] =	ssyncadd.s32 $0xFFFF9C00  }
0x17b: {  	[tilespmem:s9], [sflag:$0x1] =	stream.indirect.gather [hbm4b:s2+s8], $0x20, s17, s8, $0xb8;
	[tilespmem:$0x14800] =	vst v63  }
0x17c: {  	s18 =	rddreg [dreg:$0x3];
	s19 =	sadd.s32 $0x40, s17  }
0x17d: {  	[tilespmem:s18], [sflag:$0x1] =	stream.indirect.gather [hbm4b:s2+s8], $0x20, s19, s8, $0xb8;
	[tilespmem:$0x14800] =	vst v63  }
0x17e: {  	s20 =	rddreg [dreg:$0x4];
	s25 =	sadd.s32 $0x80, s17  }
0x17f: {  	[tilespmem:s20], [sflag:$0x1] =	stream.indirect.gather [hbm4b:s2+s8], $0x20, s25, s8, $0xb8;
	[tilespmem:$0x14800] =	vst v63  }
0x180: {  	s26 =	rddreg [dreg:$0x5];
	s28 =	sadd.s32 $0xC0, s17  }
0x181: {  	[tilespmem:s26], [sflag:$0x1] =	stream.indirect.gather [hbm4b:s2+s8], $0x20, s28, s8, $0xb8;
	[tilespmem:$0x14800] =	vst v63  }
0x182: {  	s29 =	rddreg [dreg:$0x6];
	s30 =	sadd.s32 $0x100, s17  }
0x183: {  	[tilespmem:s29], [sflag:$0x1] =	stream.indirect.gather [hbm4b:s2+s8], $0x20, s30, s8, $0xb8;
	[tilespmem:$0x14800] =	vst v63  }
0x184: {  	s31 =	rddreg [dreg:$0x7];
	s21 =	sadd.s32 $0x140, s17  }
0x185: {  	[tilespmem:s31], [sflag:$0x1] =	stream.indirect.gather [hbm4b:s2+s8], $0x20, s21, s8, $0xb8;
	[tilespmem:$0x14800] =	vst v63  }
0x186: {  	s22 =	rddreg [dreg:$0x8];
	s23 =	sadd.s32 $0x180, s17  }
0x187: {  	[tilespmem:s22], [sflag:$0x1] =	stream.indirect.gather [hbm4b:s2+s8], $0x20, s23, s8, $0xb8;
	[tilespmem:$0x14800] =	vst v63  }
0x188: {  	s24 =	rddreg [dreg:$0x9];
	s25 =	sadd.s32 $0x1C0, s17  }
0x189: {  	[tilespmem:s24], [sflag:$0x1] =	stream.indirect.gather [hbm4b:s2+s8], $0x20, s25, s8, $0xb8;
	[tilespmem:$0x14800] =	vst v63  }
0x18a: {  	s26 =	rddreg [dreg:$0xa];
	s28 =	sadd.s32 $0x200, s17  }
0x18b: {  	[tilespmem:s26], [sflag:$0x1] =	stream.indirect.gather [hbm4b:s2+s8], $0x20, s28, s8, $0xb8;
	[tilespmem:$0x14800] =	vst v63  }
0x18c: {  	s29 =	rddreg [dreg:$0xb];
	s30 =	sadd.s32 $0x240, s17  }
0x18d: {  	[tilespmem:s29], [sflag:$0x1] =	stream.indirect.gather [hbm4b:s2+s8], $0x20, s30, s8, $0xb8;
	[tilespmem:$0x14800] =	vst v63  }
0x18e: {  	s31 =	rddreg [dreg:$0xc];
	s21 =	sadd.s32 $0x280, s17  }
0x18f: {  	[tilespmem:s31], [sflag:$0x1] =	stream.indirect.gather [hbm4b:s2+s8], $0x20, s21, s8, $0xb8;
	[tilespmem:$0x14800] =	vst v63  }
0x190: {  	s22 =	rddreg [dreg:$0xd];
	s23 =	sadd.s32 $0x2C0, s17  }
0x191: {  	[tilespmem:s22], [sflag:$0x1] =	stream.indirect.gather [hbm4b:s2+s8], $0x20, s23, s8, $0xb8;
	[tilespmem:$0x14800] =	vst v63  }
0x192: {  	s24 =	rddreg [dreg:$0xe];
	s25 =	sadd.s32 $0x300, s17  }
0x193: {  	[tilespmem:s24], [sflag:$0x1] =	stream.indirect.gather [hbm4b:s2+s8], $0x20, s25, s8, $0xb8;
	[tilespmem:$0x14800] =	vst v63  }
0x194: {  	s26 =	rddreg [dreg:$0xf];
	s28 =	sadd.s32 $0x340, s17  }
0x195: {  	[tilespmem:s26], [sflag:$0x1] =	stream.indirect.gather [hbm4b:s2+s8], $0x20, s28, s8, $0xb8;
	[tilespmem:$0x14800] =	vst v63  }
0x196: {  	s29 =	rddreg [dreg:$0x10];
	s30 =	sadd.s32 $0x380, s17  }
0x197: {  	[tilespmem:s29], [sflag:$0x1] =	stream.indirect.gather [hbm4b:s2+s8], $0x20, s30, s8, $0xb8;
	[tilespmem:$0x14800] =	vst v63  }
0x198: {  	s20 =	sadd.s32 $0x3C0, s17;
	s31 =	rddreg [dreg:$0x11]  }
0x199: {  	[tilespmem:s31], [sflag:$0x1] =	stream.indirect.gather [hbm4b:s2+s8], $0x20, s20, s8, $0xb8;
	[tilespmem:$0x14800] =	vst v63  }
0x19a: {  	_ =	swait.ge [sflag:s10], $0x640  }
0x19b: {  	[sflag:s10] =	ssyncset.done $0x0  }
0x19c: {  	[sflag:s10] =	ssyncadd.s32 $0xFFFFF9C0  }
0x19d: {  	_ =	swait.ge [sflag:s10], $0x640  }
0x19e: {  	[sflag:s10] =	ssyncset.done $0x0  }
0x19f: {  	[sflag:s10] =	ssyncadd.s32 $0xFFFFF9C0  }
0x1a0: {  	_ =	swait.ge [sflag:s10], $0x640  }
0x1a1: {  	[sflag:s10] =	ssyncset.done $0x0  }
0x1a2: {  	[sflag:s10] =	ssyncadd.s32 $0xFFFFF9C0  }
0x1a3: {  	_ =	swait.ge [sflag:s10], $0x640  }
0x1a4: {  	[sflag:s10] =	ssyncset.done $0x0  }
0x1a5: {  	[sflag:s10] =	ssyncadd.s32 $0xFFFFF9C0  }
0x1a6: {  	_ =	swait.ge [sflag:s10], $0x640  }
0x1a7: {  	[sflag:s10] =	ssyncset.done $0x0  }
0x1a8: {  	[sflag:s10] =	ssyncadd.s32 $0xFFFFF9C0  }
0x1a9: {  	_ =	swait.ge [sflag:s10], $0x640  }
0x1aa: {  	[sflag:s10] =	ssyncset.done $0x0  }
0x1ab: {  	[sflag:s10] =	ssyncadd.s32 $0xFFFFF9C0  }
0x1ac: {  	_ =	swait.ge [sflag:s10], $0x640  }
0x1ad: {  	[sflag:s10] =	ssyncset.done $0x0  }
0x1ae: {  	[sflag:s10] =	ssyncadd.s32 $0xFFFFF9C0  }
0x1af: {  	_ =	swait.ge [sflag:s10], $0x640  }
0x1b0: {  	[sflag:s10] =	ssyncset.done $0x0  }
0x1b1: {  	[sflag:s10] =	ssyncadd.s32 $0xFFFFF9C0  }
0x1b2: {  	_ =	swait.ge [sflag:s10], $0x640  }
0x1b3: {  	[sflag:s10] =	ssyncset.done $0x0  }
0x1b4: {  	[sflag:s10] =	ssyncadd.s32 $0xFFFFF9C0  }
0x1b5: {  	_ =	swait.ge [sflag:s10], $0x640  }
0x1b6: {  	[sflag:s10] =	ssyncset.done $0x0  }
0x1b7: {  	[sflag:s10] =	ssyncadd.s32 $0xFFFFF9C0  }
0x1b8: {  	_ =	swait.ge [sflag:s10], $0x640  }
0x1b9: {  	[sflag:s10] =	ssyncset.done $0x0  }
0x1ba: {  	[sflag:s10] =	ssyncadd.s32 $0xFFFFF9C0  }
0x1bb: {  	_ =	swait.ge [sflag:s10], $0x640  }
0x1bc: {  	[sflag:s10] =	ssyncset.done $0x0  }
0x1bd: {  	[sflag:s10] =	ssyncadd.s32 $0xFFFFF9C0  }
0x1be: {  	_ =	swait.ge [sflag:s10], $0x640  }
0x1bf: {  	[sflag:s10] =	ssyncset.done $0x0  }
0x1c0: {  	[sflag:s10] =	ssyncadd.s32 $0xFFFFF9C0  }
0x1c1: {  	_ =	swait.ge [sflag:s10], $0x640  }
0x1c2: {  	[sflag:s10] =	ssyncset.done $0x0  }
0x1c3: {  	[sflag:s10] =	ssyncadd.s32 $0xFFFFF9C0  }
0x1c4: {  	_ =	swait.ge [sflag:s10], $0x640  }
0x1c5: {  	[sflag:s10] =	ssyncset.done $0x0  }
0x1c6: {  	[sflag:s10] =	ssyncadd.s32 $0xFFFFF9C0  }
0x1c7: {  	_ =	swait.ge [sflag:s10], $0x640  }
0x1c8: {  	[sflag:s10] =	ssyncset.done $0x0  }
0x1c9: {  	[sflag:s10] =	ssyncadd.s32 $0xFFFFF9C0  }
0x1ca: {  	[hbm4b:s16+s1] =	stream.linear.scatter [tilespmem:s9], [sflag:$0x3], $0x6400, $0x38;
	[tilespmem:$0x14800] =	vst v63  }
0x1cb: {  	s21 =	sadd.s32 $0x400, s17;
	s22 =	rddreg [dreg:$0x12]  }
0x1cc: {  	[tilespmem:s11], [sflag:$0x2] =	stream.indirect.gather [hbm4b:s2+s8], $0x20, s21, s8, $0xb8;
	[tilespmem:$0x14800] =	vst v63  }
0x1cd: {  	s23 =	sadd.s32 $0x440, s17;
	s24 =	rddreg [dreg:$0x13]  }
0x1ce: {  	[tilespmem:s22], [sflag:$0x2] =	stream.indirect.gather [hbm4b:s2+s8], $0x20, s23, s8, $0xb8;
	[tilespmem:$0x14800] =	vst v63  }
0x1cf: {  	s25 =	sadd.s32 $0x480, s17;
	s26 =	rddreg [dreg:$0x14]  }
0x1d0: {  	[tilespmem:s24], [sflag:$0x2] =	stream.indirect.gather [hbm4b:s2+s8], $0x20, s25, s8, $0xb8;
	[tilespmem:$0x14800] =	vst v63  }
0x1d1: {  	s28 =	sadd.s32 $0x4C0, s17;
	s29 =	rddreg [dreg:$0x15]  }
0x1d2: {  	[tilespmem:s26], [sflag:$0x2] =	stream.indirect.gather [hbm4b:s2+s8], $0x20, s28, s8, $0xb8;
	[tilespmem:$0x14800] =	vst v63  }
0x1d3: {  	s30 =	sadd.s32 $0x500, s17;
	s31 =	rddreg [dreg:$0x16]  }
0x1d4: {  	[tilespmem:s29], [sflag:$0x2] =	stream.indirect.gather [hbm4b:s2+s8], $0x20, s30, s8, $0xb8;
	[tilespmem:$0x14800] =	vst v63  }
0x1d5: {  	s21 =	sadd.s32 $0x540, s17;
	s22 =	rddreg [dreg:$0x17]  }
0x1d6: {  	[tilespmem:s31], [sflag:$0x2] =	stream.indirect.gather [hbm4b:s2+s8], $0x20, s21, s8, $0xb8;
	[tilespmem:$0x14800] =	vst v63  }
0x1d7: {  	s23 =	sadd.s32 $0x580, s17;
	s24 =	rddreg [dreg:$0x18]  }
0x1d8: {  	[tilespmem:s22], [sflag:$0x2] =	stream.indirect.gather [hbm4b:s2+s8], $0x20, s23, s8, $0xb8;
	[tilespmem:$0x14800] =	vst v63  }
0x1d9: {  	s25 =	sadd.s32 $0x5C0, s17;
	s26 =	rddreg [dreg:$0x19]  }
0x1da: {  	[tilespmem:s24], [sflag:$0x2] =	stream.indirect.gather [hbm4b:s2+s8], $0x20, s25, s8, $0xb8;
	[tilespmem:$0x14800] =	vst v63  }
0x1db: {  	s28 =	sadd.s32 $0x600, s17;
	s29 =	rddreg [dreg:$0x1a]  }
0x1dc: {  	[tilespmem:s26], [sflag:$0x2] =	stream.indirect.gather [hbm4b:s2+s8], $0x20, s28, s8, $0xb8;
	[tilespmem:$0x14800] =	vst v63  }
0x1dd: {  	s30 =	rddreg [dreg:$0x1b];
	s31 =	sadd.s32 $0x640, s17  }
0x1de: {  	[tilespmem:s29], [sflag:$0x2] =	stream.indirect.gather [hbm4b:s2+s8], $0x20, s31, s8, $0xb8;
	[tilespmem:$0x14800] =	vst v63  }
0x1df: {  	s20 =	sadd.s32 $0x680, s17;
	s21 =	rddreg [dreg:$0x1c]  }
0x1e0: {  	[tilespmem:s30], [sflag:$0x2] =	stream.indirect.gather [hbm4b:s2+s8], $0x20, s20, s8, $0xb8;
	[tilespmem:$0x14800] =	vst v63  }
0x1e1: {  	s22 =	sadd.s32 $0x6C0, s17;
	s23 =	rddreg [dreg:$0x1d]  }
0x1e2: {  	[tilespmem:s21], [sflag:$0x2] =	stream.indirect.gather [hbm4b:s2+s8], $0x20, s22, s8, $0xb8;
	[tilespmem:$0x14800] =	vst v63  }
0x1e3: {  	s24 =	rddreg [dreg:$0x1e];
	s25 =	sadd.s32 $0x700, s17  }
0x1e4: {  	[tilespmem:s23], [sflag:$0x2] =	stream.indirect.gather [hbm4b:s2+s8], $0x20, s25, s8, $0xb8;
	[tilespmem:$0x14800] =	vst v63  }
0x1e5: {  	s26 =	sadd.s32 $0x740, s17;
	s28 =	rddreg [dreg:$0x1f]  }
0x1e6: {  	[tilespmem:s24], [sflag:$0x2] =	stream.indirect.gather [hbm4b:s2+s8], $0x20, s26, s8, $0xb8;
	[tilespmem:$0x14800] =	vst v63  }
0x1e7: {  	s29 =	sadd.s32 $0x780, s17;
	s30 =	sld [smem:$0x7FD]  }
0x1e8: {  	[tilespmem:s28], [sflag:$0x2] =	stream.indirect.gather [hbm4b:s2+s8], $0x20, s29, s8, $0xb8;
	[tilespmem:$0x14800] =	vst v63  }
0x1e9: {  	s17 =	sadd.s32 $0x7C0, s17  }
0x1ea: {  	[tilespmem:s30], [sflag:$0x2] =	stream.indirect.gather [hbm4b:s2+s8], $0x20, s17, s8, $0xb8;
	[tilespmem:$0x14800] =	vst v63  }
0x1eb: {  	_ =	swait.ge [sflag:s12], $0x640  }
0x1ec: {  	[sflag:s12] =	ssyncset.done $0x0  }
0x1ed: {  	[sflag:s12] =	ssyncadd.s32 $0xFFFFF9C0  }
0x1ee: {  	_ =	swait.ge [sflag:s12], $0x640  }
0x1ef: {  	[sflag:s12] =	ssyncset.done $0x0  }
0x1f0: {  	[sflag:s12] =	ssyncadd.s32 $0xFFFFF9C0  }
0x1f1: {  	_ =	swait.ge [sflag:s12], $0x640  }
0x1f2: {  	[sflag:s12] =	ssyncset.done $0x0  }
0x1f3: {  	[sflag:s12] =	ssyncadd.s32 $0xFFFFF9C0  }
0x1f4: {  	_ =	swait.ge [sflag:s12], $0x640  }
0x1f5: {  	[sflag:s12] =	ssyncset.done $0x0  }
0x1f6: {  	[sflag:s12] =	ssyncadd.s32 $0xFFFFF9C0  }
0x1f7: {  	_ =	swait.ge [sflag:s12], $0x640  }
0x1f8: {  	[sflag:s12] =	ssyncset.done $0x0  }
0x1f9: {  	[sflag:s12] =	ssyncadd.s32 $0xFFFFF9C0  }
0x1fa: {  	_ =	swait.ge [sflag:s12], $0x640  }
0x1fb: {  	[sflag:s12] =	ssyncset.done $0x0  }
0x1fc: {  	[sflag:s12] =	ssyncadd.s32 $0xFFFFF9C0  }
0x1fd: {  	_ =	swait.ge [sflag:s12], $0x640  }
0x1fe: {  	[sflag:s12] =	ssyncset.done $0x0  }
0x1ff: {  	[sflag:s12] =	ssyncadd.s32 $0xFFFFF9C0  }
0x200: {  	_ =	swait.ge [sflag:s12], $0x640  }
0x201: {  	[sflag:s12] =	ssyncset.done $0x0  }
0x202: {  	[sflag:s12] =	ssyncadd.s32 $0xFFFFF9C0  }
0x203: {  	_ =	swait.ge [sflag:s12], $0x640  }
0x204: {  	[sflag:s12] =	ssyncset.done $0x0  }
0x205: {  	[sflag:s12] =	ssyncadd.s32 $0xFFFFF9C0  }
0x206: {  	_ =	swait.ge [sflag:s12], $0x640  }
0x207: {  	[sflag:s12] =	ssyncset.done $0x0  }
0x208: {  	[sflag:s12] =	ssyncadd.s32 $0xFFFFF9C0  }
0x209: {  	_ =	swait.ge [sflag:s12], $0x640  }
0x20a: {  	[sflag:s12] =	ssyncset.done $0x0  }
0x20b: {  	[sflag:s12] =	ssyncadd.s32 $0xFFFFF9C0  }
0x20c: {  	_ =	swait.ge [sflag:s12], $0x640  }
0x20d: {  	[sflag:s12] =	ssyncset.done $0x0  }
0x20e: {  	[sflag:s12] =	ssyncadd.s32 $0xFFFFF9C0  }
0x20f: {  	_ =	swait.ge [sflag:s12], $0x640  }
0x210: {  	[sflag:s12] =	ssyncset.done $0x0  }
0x211: {  	[sflag:s12] =	ssyncadd.s32 $0xFFFFF9C0  }
0x212: {  	_ =	swait.ge [sflag:s12], $0x640  }
0x213: {  	[sflag:s12] =	ssyncset.done $0x0  }
0x214: {  	[sflag:s12] =	ssyncadd.s32 $0xFFFFF9C0  }
0x215: {  	_ =	swait.ge [sflag:s12], $0x640  }
0x216: {  	[sflag:s12] =	ssyncset.done $0x0  }
0x217: {  	[sflag:s12] =	ssyncadd.s32 $0xFFFFF9C0  }
0x218: {  	_ =	swait.ge [sflag:s12], $0x640  }
0x219: {  	[sflag:s12] =	ssyncset.done $0x0  }
0x21a: {  	[sflag:s12] =	ssyncadd.s32 $0xFFFFF9C0  }
0x21b: {  	s15 =	sadd.s32 $0x1, s15;
	_ =	swait.ge [sflag:s13], $0x6400  }
0x21c: {  	p0 =	sne.s32 s15, s5;
	[sflag:s13] =	ssyncset.done $0x0  }
.Ltmp1:
0x21d: {  	s31 =	sadd.s32 $0xC80, s16;
	[sflag:s13] =	ssyncadd.s32 $0xFFFF9C00;
	(pc) =	sbr.rel @p0 .LBB2_1-.Ltmp1, $4  }
0x21e: {  	[hbm4b:s31+s1] =	stream.linear.scatter [tilespmem:s11], [sflag:$0x4], $0x6400, $0x38;
	[tilespmem:$0x14800] =	vst v63  }
0x21f: {  	_ =	swait.ge [sflag:s14], $0x6400  }
0x220: {  	[sflag:s14] =	ssyncset.done $0x0  }
0x221: {  	[sflag:s14] =	ssyncadd.s32 $0xFFFF9C00  }
0x222: {  	_ =	sfence.sel $0x180000  }
0x223: {  	[bflag:$0x0] =	sbarrier.arrive $0xFFFF  }
0x224: {  	p0 =	sne.s32 s3, $0x0;
	_ =	strace $0x90000047  }
0x225: {  	s0 =	sadd.s32 @!p0 $0x100000, s0;
	[bflag:$0x2] =	sbarrier.arrive $0xFFFF  }
0x226: {  	[sflag:s0] =	ssyncadd.tile.s32 @!p0 $0x1;
	_ =	shalt  }
.Lfunc_end2:
_tile_overlayer_lowered:
.L_overlay_start_2:
0x227: {  	(tag) =	ssettag $0x2  }
0x228: {  	s0 =	rddreg [dreg:$0x0];
	s2 =	stileid.u32  }
0x229: {  	s1 =	rddreg [dreg:$0x1];
	p0 =	sne.s32 s2, $0x0  }
0x22a: {  	s3 =	rddreg [dreg:$0x2];
	[bflag:$0x3] =	sbarrier.arrive $0xFFFF;
	s2 =	simm.s32 @!p0 $0x1C05  }
0x22b: {  	[timem:s3], [sflag:s2] =	dma.local @!p0 [hbm:s0], s1  }
0x22c: {  	s0 =	simm.s32 @!p0 $0x5  }
0x22d: {  	_ =	swait.ge @!p0 [sflag:s0], s1  }
0x22e: {  	s1 =	ssub.s32 @!p0 $0x0, s1;
	[sflag:s0] =	ssyncset.done @!p0 $0x0  }
0x22f: {  	[sflag:s0] =	ssyncadd.s32 @!p0 s1  }
0x230: {  	[bflag:$0x3] =	sbarrier.arrive $0xFFFF  }
0x231: {  	_ =	shalt  }

// kernel: sparse-core-data-format-call.cloned.1.call-start
scs
called_computation_lowered:
.L_overlay_start_0:
0x0: {  	s2 =	sld [smem:$0x3FD9]  }
0x1: {  	s3 =	sld [smem:$0x3FFE];
	_ =	sdelay $0x1  }
0x2: {  	s1 =	srdreg.scid  }
0x3: {  	s0 =	sand.u32 $0x1, s1  }
0x4: {  	s18 =	sshll.u32 s0, $0xA;
	s2 =	sadd.s32 s3, s2  }
0x5: {  	s2 =	sadd.s32 s2, s18  }
0x6: {  	[smem:$0x3FC6] =	sst s2  }
0x7: {  	_ = 	snop  }
0x8: {  	s2 =	sld [smem:$0x3FD0];
	(tm) =	ssettm $0x1  }
0x9: {  	s19 =	sld [smem:$0x3FFB];
	_ =	sdelay $0x3  }
0xa: {  	_ =	strace s19  }
0xb: {  	s3 =	sld [smem:$0x3FFC];
	_ =	sdelay $0x3  }
0xc: {  	_ =	strace s3  }
0xd: {  	s3 =	sld [smem:$0x3FFD];
	_ =	sdelay $0x3  }
0xe: {  	_ =	strace s3  }
0xf: {  	_ =	strace $0x8FFFFFFF  }
0x10: {  	s20 =	sld [smem:$0x3FDB];
	_ =	sdelay $0x1  }
0x11: {  	s4 =	simm.s32 $_scs_section_size  }
0x12: {  	s5 =	simm.s32 $_size__tile_overlayer_lowered;
	s6 =	simm.s32 $_tile_overlayer_lowered  }
0x13: {  	s23 =	simm.s32 $0x1BFF;
	s22 =	sshll.u32 s6, $0x1;
	s3 =	sadd.s32 s4, s20  }
0x14: {  	s7 =	simm.s32 $0x0;
	s21 =	sshll.u32 s5, $0x1;
	s5 =	sadd.s32 s22, s3  }
0x15: {  	[timem:s7], [sflag:s23] =	dma.local [hbm:s5], s21  }
0x16: {  	_ =	swait.ge [sflag:s23], s21  }
0x17: {  	s4 =	ssub.s32 $0x0, s21;
	[sflag:s23] =	ssyncset.done $0x0  }
0x18: {  	[sflag:s23] =	ssyncadd.s32 s4;
	_ =	sdelay $0x1  }
0x19: {  	s24 =	simm.s32 $0x1B8B  }
0x1a: {  	_ =	swait.ge [sflag:s24], $0x1  }
0x1b: {  	[sflag:s24] =	ssyncset.done $0x0  }
0x1c: {  	s26 =	simm.s32 $0x1B8E;
	s25 =	sld [smem:$0x3FFE];
	[sflag:s24] =	ssyncadd.s32 $0xFFFFFFFF  }
0x1d: {  	s27 =	simm.s32 $execute0_lowered;
	[smem:$0x3FD2] =	sst s26  }
0x1e: {  	s5 =	sshll.u32 s27, $0x1;
	_ =	strace $0x80000049;
	[dreg:$0x1] =	wrdreg $0xFFFFFFFF  }
0x1f: {  	s28 =	simm.s32 $_size_execute0_lowered;
	s3 =	sadd.s32 s3, s5;
	[dreg:$0x0] =	wrdreg $0x0  }
0x20: {  	s5 =	sshll.u32 s28, $0x1;
	[dreg:$0x2] =	wrdreg s3  }
0x21: {  	[dreg:$0x3] =	wrdreg s5  }
0x22: {  	[dreg:$0x4] =	wrdreg $0xC0  }
0x23: {  	_ =	task [dreg:s7], $0x5FFFF  }
0x24: {  	[dreg:$0x1] =	wrdreg $0xFFFFFFFF  }
0x25: {  	[dreg:$0x0] =	wrdreg $0x60  }
0x26: {  	[dreg:$0x2] =	wrdreg s25  }
0x27: {  	[dreg:$0x3] =	wrdreg s2  }
0x28: {  	[dreg:$0x4] =	wrdreg $0x9  }
0x29: {  	_ =	task.clear_ibuf [dreg:s7], $0x5FFFF;
	_ =	strace $0x90000049  }
0x2a: {  	s29 =	simm.s32 $0x9;
	_ =	strace $0x8000004B  }
0x2b: {  	_ =	swait.ge [sflag:s29], $0x1  }
0x2c: {  	[sflag:s29] =	ssyncadd.s32 $0xFFFFFFFF  }
0x2d: {  	_ =	strace $0x9000004B  }
0x2e: {  	_ =	sfence  }
0x2f: {  	s30 =	sld [smem:$0x0];
	_ =	sdelay $0x2  }
0x30: {  	s31 =	sshll.u32 s1, $0xD;
	s1 =	sshrl.u32 s1, $0x2  }
0x31: {  	s3 =	sand.u32 $0x4000, s31;
	s1 =	sadd.s32 s1, s30  }
0x32: {  	s0 =	sor.u32 s3, s0;
	s1 =	sshll.u32 s1, $0x11  }
0x33: {  	s0 =	sor.u32 s1, s0  }
0x34: {  	s0 =	sadd.s32 $0x8F2B, s0  }
0x35: {  	[sflag:s0] =	ssyncadd.remote.s32 $0x1  }
0x36: {  	_ =	sfence.sel $0xFFFF  }
0x37: {  	[dreg:$0x0] =	wrdreg $0xFFFFFFFF;
	(pc) =	sbr.abs _section_cstart, $3  }
0x38: {  	[dreg:$0x1] =	wrdreg $0xFFFFFFFF  }
0x39: {  	_ =	task.clear_ibuf [dreg:s7], $0x2FFFF;
	_ =	strace $0x9FFFFFFF  }
0x3a: {  	(tm) =	ssettm $0x7FFFFFFF  }
0x3b: {  	_ =	shalt  }
tec
execute0_lowered:
.L_overlay_start_1:
0x0: {  	(tag) =	ssettag $0x1  }
0x1: {  	s0 =	srdreg.scid  }
0x2: {  	s1 =	sshll.u32 s0, $0x4  }
0x3: {  	s0 =	stileid.u32;
	s1 =	sand.u32 $0x10, s1  }
0x4: {  	s1 =	sor.u32 s0, s1  }
0x5: {  	s6 =	rddreg [dreg:$0x0];
	s4 =	simm.s32 $0x1;
	s2 =	sshll.u32 s1, $0x7  }
0x6: {  	s7 =	simm.s32 $0x2;
	s12 =	simm.s32 $0x0;
	s1 =	ssub.s32 $0x4000, s2  }
0x7: {  	s8 =	simm.s32 $0x20000;
	s13 =	simm.s32 $0x0;
	s3 =	sand.u32 $0xF80, s1  }
0x8: {  	s9 =	simm.s32 $0x0;
	s5 =	sshrl.u32 s1, $0xC;
	p0 =	sne.s32 s3, $0x0  }
.Ltmp0:
0x9: {  	s1 =	rddreg [dreg:$0x2];
	s4 =	simm.s32 @!p0 $0x0;
	(pc) =	sbr.rel .LBB1_1-.Ltmp0, $4  }
0xa: {  	s11 =	simm.s32 $0x0;
	s3 =	rddreg [dreg:$0x1];
	s5 =	sadd.s32 s4, s5  }
0xb: {  	_ =	strace $0x8000004A;
	s4 =	simm.s32 $0x1;
	s5 =	smul.u32 $0x32, s5  }
0xc: {  	s6 =	sadd.s32 $0xA00, s6;
	s10 =	smov.u32 s2;
	[sflag:s4] =	ssyncpa.u1 $0x0  }
0xd: {  	p0 =	por $0x0, $0x0;
	[sflag:s7] =	ssyncpa.u1 $0x0;
	s7 =	sor.u32 $0x1, s5  }
.LBB1_4:
0xe: {  	s16 =	sshll.u32 s13, $0x3;
	s17 =	sand.u32 $0x78, s13  }
0xf: {  	s30 =	sand.u32 $0xF800, s13;
	s12 =	sshll.u32 s12, $0x10;
	s16 =	sand.u32 $0x3C00, s16  }
0x10: {  	s31 =	sand.u32 $0x7, s13;
	s16 =	sor.u32 s17, s16;
	s17 =	sadd.s32 s3, s30  }
0x11: {  	s13 =	sshll.u32 s31, $0x12;
	s16 =	sshrl.u32 s16, $0x3;
	s12 =	sadd.s32 s12, s17  }
0x12: {  	[tilespmem:s15+$0x0 ss:$0x81] =	vst.msk $0xffff, v0;
	s13 =	sor.u32 $0x400, s13;
	s12 =	sadd.s32 s16, s12  }
0x13: {  	[hbm4b:s12+s13] =	stream.strided.scatter [tilespmem:s14], [sflag:$0x2], $0x1000, s8, s13, $0x20;
	[tilespmem:$0x4040] =	vst v63  }
.LBB1_5:
0x14: {  	s14 =	sadd.s32 $0x1, s9  }
0x15: {  	s12 =	sadd.s32 $0x1000, s10;
	s16 =	smov.u32 s10;
	p2 =	sgt.s32 s14, $0x31  }
0x16: {  	s16 =	smov.u32 @p2 s12  }
0x17: {  	s14 =	simm.s32 @p2 $0x0;
	p2 =	sgt.s32 s16, $0x3FFF  }
0x18: {  	s16 =	smov.u32 @p2 s2;
	p2 =	sne.s32 s11, s7  }
.Ltmp1:
0x19: {  	p1 =	slt.u32 s11, $0x2;
	(pc) =	sbr.rel @!p2 .LBB1_6-.Ltmp1, $4  }
0x1a: {  	s15 =	simm.s32 @!p1 $0x2  }
0x1b: {  	s13 =	smov.u32 s10;
	p0 =	por !p0, !p0;
	_ =	swait.ge @!p1 [sflag:s15], $0x1000  }
0x1c: {  	s12 =	smov.u32 s9;
	[sflag:s15] =	ssyncset.done @!p1 $0x0;
	s9 =	smov.u32 s14  }
0x1d: {  	s11 =	sadd.s32 $0x1, s11;
	[sflag:s15] =	ssyncadd.s32 @!p1 $0xFFFFF000;
	s10 =	smov.u32 s16  }
.LBB1_1:
0x1e: {  	p1 =	sge.u32 s11, s5  }
0x1f: {  	s14 =	sand.u32 @!p1 $0x1FFFFFF, s9  }
0x20: {  	s15 =	smulhi.u32 @!p1 $0x4924925, s14;
	_ =	sdelay $0x1  }
0x21: {  	s15 =	smul.u32 @!p1 $0x38, s15  }
0x22: {  	s16 =	sxor.u32 @!p1 $0xFFFFFFFF, s11;
	s17 =	smul.u32 @!p1 $0x380, s10  }
0x23: {  	s31 =	sadd.s32 $0xFFFFFFFF, s11;
	s16 =	sshll.u32 @!p1 s16, $0xC;
	s14 =	ssub.s32 @!p1 s14, s15  }
0x24: {  	s15 =	sand.u32 @!p1 $0x1000, s16;
	s16 =	sadd.s32 @!p1 s6, s17;
	s14 =	sshll.u32 @!p1 s14, $0x4  }
0x25: {  	s17 =	simm.s32 @!p1 $0x1C00;
	s14 =	sadd.s32 @!p1 s14, s16;
	s16 =	simm.s32 @!p1 $0x20  }
0x26: {  	[tilespmem:s15], [sflag:$0x1] =	stream.strided.gather @!p1 [hbm4b:s14+s16], $0x1000, s17, s16, $0x38;
	[tilespmem:$0x4040] =	vst v63  }
0x27: {  	p1 =	sge.u32 s31, s5  }
.Ltmp2:
0x28: {  	_ = 	snop;
	(pc) =	sbr.rel @p1 .LBB1_5-.Ltmp2, $1  }
0x29: {  	_ =	sdelay $0x3  }
0x2a: {  	s14 =	simm.s32 $0x1  }
0x2b: {  	_ =	swait.ge [sflag:s4], $0x1000;
	s14 =	simm.s32 @!p0 $0x0  }
0x2c: {  	[sflag:s4] =	ssyncset.done $0x0;
	s15 =	sshll.u32 s14, $0xC  }
0x2d: {  	[sflag:s4] =	ssyncadd.s32 $0xFFFFF000;
	s18 =	sor.u32 $0x10, s15  }
0x2e: {  	s14 =	smul.u32 $0x4080, s14;
	v1 =	vld [tilespmem:s18+$0x0]  }
0x2f: {  	s30 =	sand.u32 $0x1, s11;
	v0 =	vld [tilespmem:s18+$0xFFFFFFF0]  }
0x30: {  	s15 =	smul.u32 $0x4080, s30;
	s14 =	sshrl.u32 s14, $0x2  }
0x31: {  	s16 =	sor.u32 $0x2000, s14  }
0x32: {  	s31 =	sshrl.u32 s15, $0x2;
	s15 =	sadd.s32 $0x0, s16  }
0x33: {  	s17 =	simm.s32 $0x4;
	s18 =	sadd.s32 $0x20, s18;
	s14 =	sor.u32 $0x2000, s31;
	[tilespmem:s15+$0x810 ss:$0x81] =	vst.msk $0xffff, v1  }
.LBB1_3:
0x34: {  	v1 =	vld [tilespmem:s18+$0x0];
	p1 =	sne.s32 s17, $0x1FC;
	[tilespmem:s15+$0x0 ss:$0x81] =	vst.msk $0xffff, v0;
	s15 =	smov.u32 s17;
	s17 =	sadd.s32 $0x4, s17  }
.Ltmp3:
0x35: {  	v0 =	vld [tilespmem:s18+$0xFFFFFFF0];
	(pc) =	sbr.rel @p1 .LBB1_3-.Ltmp3, $4  }
0x36: {  	_ = 	snop  }
0x37: {  	s15 =	sshra.s32 s15, $0x2  }
0x38: {  	s15 =	sadd.s32 s15, s16  }
0x39: {  	s18 =	sadd.s32 $0x20, s18;
	[tilespmem:s15+$0x810 ss:$0x81] =	vst.msk $0xffff, v1  }
.Ltmp4:
0x3a: {  	_ = 	snop;
	(pc) =	sbr.rel .LBB1_4-.Ltmp4, $1  }
0x3b: {  	_ =	sdelay $0x3  }
.LBB1_6:
0x3c: {  	_ =	sfence.sel $0x180000  }
0x3d: {  	s2 =	simm.s32 $0x1;
	[bflag:$0x0] =	sbarrier.arrive $0xFFFF  }
0x3e: {  	s31 =	simm.s32 $0x2;
	[sflag:s2] =	ssyncpa.u1 $0x1  }
0x3f: {  	[sflag:s31] =	ssyncpa.u1 $0x1  }
0x40: {  	p0 =	sne.s32 s0, $0x0;
	_ =	strace $0x9000004A  }
0x41: {  	s0 =	sadd.s32 @!p0 $0x100000, s1;
	[bflag:$0x2] =	sbarrier.arrive $0xFFFF  }
0x42: {  	[sflag:s0] =	ssyncadd.tile.s32 @!p0 $0x1;
	_ =	shalt  }
.Lfunc_end1:
_tile_overlayer_lowered:
.L_overlay_start_2:
0x43: {  	(tag) =	ssettag $0x2  }
0x44: {  	s0 =	rddreg [dreg:$0x0];
	s2 =	stileid.u32  }
0x45: {  	s1 =	rddreg [dreg:$0x1];
	p0 =	sne.s32 s2, $0x0  }
0x46: {  	s3 =	rddreg [dreg:$0x2];
	[bflag:$0x3] =	sbarrier.arrive $0xFFFF;
	s2 =	simm.s32 @!p0 $0x1C01  }
0x47: {  	[timem:s3], [sflag:s2] =	dma.local @!p0 [hbm:s0], s1  }
0x48: {  	s0 =	simm.s32 @!p0 $0x1  }
0x49: {  	_ =	swait.ge @!p0 [sflag:s0], s1  }
0x4a: {  	s1 =	ssub.s32 @!p0 $0x0, s1;
	[sflag:s0] =	ssyncset.done @!p0 $0x0  }
0x4b: {  	[sflag:s0] =	ssyncadd.s32 @!p0 s1  }
0x4c: {  	[bflag:$0x3] =	sbarrier.arrive $0xFFFF  }
0x4d: {  	_ =	shalt  }

</sc_bundles>
